<compile_context>
chip_gen: v7x
topology: tpu7x:2x2x1
jax: 0.10.2.dev20260603
libtpu: 0.0.44.dev20260713+nightly
codegen_flags: <defaults>
</compile_context>

<pallas_src>
import functools

import jax
import jax.numpy as jnp
from jax import lax
from jax.experimental import pallas as pl
from jax.experimental.pallas import tpu as pltpu
from jax.experimental.pallas import tpu_sc as plsc

N = 10000
D = 128
E = 320000
NS = 16
CH = 128
ET = E // NS
NCH = ET // CH
TAIL = ET - NCH * CH
RPT = (N // NS) // 8 * 8
RTL = N - NS * RPT
BLK = 1000


def _deg_body(dst_ref, zeros_ref, ones_ref, out_ref,
              ix0, ix1, ix2, ix3, idx_t, ones_v, acc_s,
              sm0, sm1, sm2, sm3):
    idxs = (ix0, ix1, ix2, ix3)
    sems = (sm0, sm1, sm2, sm3)
    c = lax.axis_index("c")
    s = lax.axis_index("s")
    pltpu.sync_copy(ones_ref, ones_v)
    pltpu.sync_copy(zeros_ref.at[pl.ds(s * RPT, RPT)],
                    acc_s.at[pl.ds(s * RPT, RPT)])

    @pl.when(s == NS - 1)
    def _():
        pltpu.sync_copy(zeros_ref.at[pl.ds(NS * RPT, RTL)],
                        acc_s.at[pl.ds(NS * RPT, RTL)])

    plsc.subcore_barrier()
    base = c * E + s * ET

    def wait_idx(b):
        pltpu.make_async_copy(dst_ref.at[pl.ds(0, CH)], idxs[b],
                              sems[b]).wait()

    for b in range(4):
        pltpu.async_copy(dst_ref.at[pl.ds(base + b * CH, CH)],
                         idxs[b], sems[b])

    @pl.loop(0, NCH // 4 - 1)
    def _(t):
        for b in range(4):
            wait_idx(b)
            pltpu.sync_copy(ones_v, acc_s.at[idxs[b]], add=True)
            pltpu.async_copy(
                dst_ref.at[pl.ds(base + (4 * t + b + 4) * CH, CH)],
                idxs[b], sems[b])

    for b in range(4):
        wait_idx(b)
        pltpu.sync_copy(ones_v, acc_s.at[idxs[b]], add=True)

    pltpu.sync_copy(dst_ref.at[pl.ds(base + NCH * CH, TAIL)], idx_t)
    pltpu.sync_copy(ones_v.at[pl.ds(0, TAIL)], acc_s.at[idx_t], add=True)
    plsc.subcore_barrier()
    pltpu.sync_copy(acc_s.at[pl.ds(s * RPT, RPT)],
                    out_ref.at[c, pl.ds(s * RPT, RPT)])

    @pl.when(s == NS - 1)
    def _():
        pltpu.sync_copy(acc_s.at[pl.ds(NS * RPT, RTL)],
                        out_ref.at[c, pl.ds(NS * RPT, RTL)])


def _agg_body(y_ref, srcoff_ref, dst_ref, out_ref,
              sx0, sx1, sx2, sx3, dx0, dx1, dx2, dx3, rows_v, rows_w,
              sidx_t, didx_t, rows_t, acc_s,
              im0, im1, im2, im3, sem, semw):
    sidxs = (sx0, sx1, sx2, sx3)
    didxs = (dx0, dx1, dx2, dx3)
    isems = (im0, im1, im2, im3)
    c = lax.axis_index("c")
    s = lax.axis_index("s")
    pltpu.sync_copy(y_ref.at[pl.ds(c * N + s * RPT, RPT)],
                    acc_s.at[pl.ds(s * RPT, RPT)])

    @pl.when(s == NS - 1)
    def _():
        pltpu.sync_copy(y_ref.at[pl.ds(c * N + NS * RPT, RTL)],
                        acc_s.at[pl.ds(NS * RPT, RTL)])

    plsc.subcore_barrier()
    base = c * E + s * ET

    def start_idx(b, k):
        pltpu.async_copy(srcoff_ref.at[pl.ds(base + k * CH, CH)],
                         sidxs[b], isems[b])
        pltpu.async_copy(dst_ref.at[pl.ds(base + k * CH, CH)],
                         didxs[b], isems[b])

    def wait_idx(b):
        pltpu.make_async_copy(srcoff_ref.at[pl.ds(0, CH)], sidxs[b],
                              isems[b]).wait()
        pltpu.make_async_copy(srcoff_ref.at[pl.ds(0, CH)], didxs[b],
                              isems[b]).wait()

    rows = (rows_v, rows_w)
    gsems = (sem, semw)

    def wait_gather(rb):
        pltpu.make_async_copy(y_ref.at[pl.ds(0, CH)], rows[rb],
                              gsems[rb]).wait()

    for b in range(4):
        start_idx(b, b)
    wait_idx(0)
    pltpu.async_copy(y_ref.at[sidxs[0]], rows[0], gsems[0])

    @pl.loop(0, NCH // 4 - 1)
    def _(t):
        for b in range(4):
            bn = (b + 1) % 4
            wait_idx(bn)
            pltpu.async_copy(y_ref.at[sidxs[bn]], rows[bn % 2],
                             gsems[bn % 2])
            wait_gather(b % 2)
            pltpu.sync_copy(rows[b % 2], acc_s.at[didxs[b]], add=True)
            start_idx(b, 4 * t + b + 4)

    for b in range(3):
        bn = b + 1
        wait_idx(bn)
        pltpu.async_copy(y_ref.at[sidxs[bn]], rows[bn % 2], gsems[bn % 2])
        wait_gather(b % 2)
        pltpu.sync_copy(rows[b % 2], acc_s.at[didxs[b]], add=True)
    wait_gather(3 % 2)
    pltpu.sync_copy(rows[3 % 2], acc_s.at[didxs[3]], add=True)

    pltpu.sync_copy(srcoff_ref.at[pl.ds(base + NCH * CH, TAIL)], sidx_t)
    pltpu.sync_copy(dst_ref.at[pl.ds(base + NCH * CH, TAIL)], didx_t)
    pltpu.async_copy(y_ref.at[sidx_t], rows_t, sem).wait()
    pltpu.sync_copy(rows_t, acc_s.at[didx_t], add=True)
    plsc.subcore_barrier()
    pltpu.sync_copy(acc_s.at[pl.ds(s * RPT, RPT)],
                    out_ref.at[c, pl.ds(s * RPT, RPT)])

    @pl.when(s == NS - 1)
    def _():
        pltpu.sync_copy(acc_s.at[pl.ds(NS * RPT, RTL)],
                        out_ref.at[c, pl.ds(NS * RPT, RTL)])


def _scale_body(x_ref, w_ref, deg_ref, y_ref):
    xw = jnp.dot(x_ref[...], w_ref[...], preferred_element_type=jnp.float32)
    d0 = lax.rsqrt(deg_ref[0, :, 0:1] + 1.0)
    d1 = lax.rsqrt(deg_ref[1, :, 0:1] + 1.0)
    y_ref[0] = d0 * xw
    y_ref[1] = d1 * xw


_scale_call = pl.pallas_call(
    _scale_body,
    grid=(N // BLK,),
    in_specs=[
        pl.BlockSpec((BLK, D), lambda i: (i, 0)),
        pl.BlockSpec((D, D), lambda i: (0, 0)),
        pl.BlockSpec((2, BLK, D), lambda i: (0, i, 0)),
    ],
    out_specs=pl.BlockSpec((2, BLK, D), lambda i: (0, i, 0)),
    out_shape=jax.ShapeDtypeStruct((2, N, D), jnp.float32),
)


def _final_body(agg_ref, deg_ref, b_ref, out_ref):
    bv = b_ref[0]
    d0 = lax.rsqrt(deg_ref[0, :, 0:1] + 1.0)
    d1 = lax.rsqrt(deg_ref[1, :, 0:1] + 1.0)
    out_ref[:, :D] = d0 * agg_ref[0] + bv
    out_ref[:, D:] = d1 * agg_ref[1] + bv


_final_call = pl.pallas_call(
    _final_body,
    grid=(N // BLK,),
    in_specs=[
        pl.BlockSpec((2, BLK, D), lambda i: (0, i, 0)),
        pl.BlockSpec((2, BLK, D), lambda i: (0, i, 0)),
        pl.BlockSpec((1, D), lambda i: (0, 0)),
    ],
    out_specs=pl.BlockSpec((BLK, 2 * D), lambda i: (i, 0)),
    out_shape=jax.ShapeDtypeStruct((N, 2 * D), jnp.float32),
)


@functools.cache
def _sc_kernels():
    mesh = plsc.VectorSubcoreMesh(core_axis_name="c", subcore_axis_name="s")
    deg_kernel = pl.kernel(
        _deg_body,
        mesh=mesh,
        out_type=jax.ShapeDtypeStruct((2, N, D), jnp.float32),
        scratch_types=[
            pltpu.VMEM((CH,), jnp.int32),
            pltpu.VMEM((CH,), jnp.int32),
            pltpu.VMEM((CH,), jnp.int32),
            pltpu.VMEM((CH,), jnp.int32),
            pltpu.VMEM((TAIL,), jnp.int32),
            pltpu.VMEM((CH, D), jnp.float32),
            pltpu.VMEM_SHARED((N, D), jnp.float32),
            pltpu.SemaphoreType.DMA,
            pltpu.SemaphoreType.DMA,
            pltpu.SemaphoreType.DMA,
            pltpu.SemaphoreType.DMA,
        ],
    )
    agg_kernel = pl.kernel(
        _agg_body,
        mesh=mesh,
        out_type=jax.ShapeDtypeStruct((2, N, D), jnp.float32),
        scratch_types=[
            pltpu.VMEM((CH,), jnp.int32),
            pltpu.VMEM((CH,), jnp.int32),
            pltpu.VMEM((CH,), jnp.int32),
            pltpu.VMEM((CH,), jnp.int32),
            pltpu.VMEM((CH,), jnp.int32),
            pltpu.VMEM((CH,), jnp.int32),
            pltpu.VMEM((CH,), jnp.int32),
            pltpu.VMEM((CH,), jnp.int32),
            pltpu.VMEM((CH, D), jnp.float32),
            pltpu.VMEM((CH, D), jnp.float32),
            pltpu.VMEM((TAIL,), jnp.int32),
            pltpu.VMEM((TAIL,), jnp.int32),
            pltpu.VMEM((TAIL, D), jnp.float32),
            pltpu.VMEM_SHARED((N, D), jnp.float32),
            pltpu.SemaphoreType.DMA,
            pltpu.SemaphoreType.DMA,
            pltpu.SemaphoreType.DMA,
            pltpu.SemaphoreType.DMA,
            pltpu.SemaphoreType.DMA,
            pltpu.SemaphoreType.DMA,
        ],
    )
    return deg_kernel, agg_kernel


def kernel(x, edge_index_list, W, b):
    deg_kernel, agg_kernel = _sc_kernels()
    ei = edge_index_list.astype(jnp.int32)
    src = ei[:, 0, :]
    dst = ei[:, 1, :].reshape(2 * E)
    srcoff = (src + jnp.arange(2, dtype=jnp.int32)[:, None] * N).reshape(2 * E)
    zerosd = jnp.zeros((N, D), jnp.float32)
    onesd = jnp.ones((CH, D), jnp.float32)

    degp = deg_kernel(dst, zerosd, onesd)
    y = _scale_call(x, W, degp)
    agg = agg_kernel(y.reshape(2 * N, D), srcoff, dst)
    return _final_call(agg, degp, b.reshape(1, D))

# --- scband reference (transcript-rebuilt; emitter-appended) ---
"""Pipeline reference for scband-a-gcn-conv-86122684219966 (READ-ONLY COPY).

The authoritative reference and input builder live on the scoring server;
editing this copy changes nothing except your own understanding.
"""

import jax, jax.numpy as jnp
import numpy as np

N_NODES = 10000
D_IN = 128
D_OUT = 128
N_EDGES = 320000


def gcn_conv(x, edge_index, W, b, num_nodes):
    # Faithful GCNConv: add self-loops, symmetric normalization, linear, scatter-add aggregate, bias.
    src = edge_index[0]
    dst = edge_index[1]
    loop = jnp.arange(num_nodes, dtype=src.dtype)
    src = jnp.concatenate([src, loop])
    dst = jnp.concatenate([dst, loop])
    ew = jnp.ones(src.shape[0], dtype=x.dtype)
    deg = jax.ops.segment_sum(ew, dst, num_segments=num_nodes)
    dinv = jnp.where(deg > 0, deg ** -0.5, 0.0)
    norm = dinv[src] * dinv[dst]
    xw = x @ W  # linear transform
    msg = norm[:, None] * jnp.take(xw, src, axis=0)  # gather + scale
    out = jax.ops.segment_sum(msg, dst, num_segments=num_nodes)  # scatter-add
    return out + b


def setup_inputs(seed: int = 0) -> dict:
    key = jax.random.key(seed)
    k1, k2, k3, k4 = jax.random.split(key, 4)
    x = jax.random.normal(k1, (N_NODES, D_IN), dtype=jnp.float32)
    edge_index_list = jax.random.randint(k2, (2, 2, N_EDGES), 0, N_NODES, dtype=jnp.int64)
    # shared GCNConv parameters (use_A=-2 -> one layer reused for both adjacencies)
    W = jax.random.normal(k3, (D_IN, D_OUT), dtype=jnp.float32) * (1.0 / np.sqrt(D_IN))
    b = jnp.zeros((D_OUT,), dtype=jnp.float32)
    return {"x": x, "edge_index_list": edge_index_list, "W": W, "b": b}


def reference(x, edge_index_list, W, b):
    num_nodes = x.shape[0]
    # use_A = -2: apply the single shared layer to each adjacency, concat along feature dim
    x0 = gcn_conv(x, edge_index_list[0], W, b, num_nodes)
    xa = gcn_conv(x, edge_index_list[1], W, b, num_nodes)
    return jnp.concatenate([x0, xa], axis=1)

if __name__ == "__main__":
    import jax
    _d = setup_inputs()
    print(jax.jit(kernel)(*tuple(_d.values())))

</pallas_src>

<mosaic_0001>
#map = affine_map<(d0, d1) -> (0)>
#map1 = affine_map<(d0, d1) -> (0, 0)>
#map2 = affine_map<(d0, d1) -> (0, 0, 0)>
module attributes {stable_mosaic.version = 14 : i64} {
  func.func @_deg_body(%arg0: i32, %arg1: i32, %arg2: memref<640000xi32, #tpu.memory_space<hbm>>, %arg3: memref<10000x128xf32, #tpu.memory_space<hbm>>, %arg4: memref<128x128xf32, #tpu.memory_space<hbm>>, %arg5: memref<2x10000x128xf32, #tpu.memory_space<hbm>>, %arg6: memref<128xi32, #tpu.memory_space<vmem>>, %arg7: memref<128xi32, #tpu.memory_space<vmem>>, %arg8: memref<128xi32, #tpu.memory_space<vmem>>, %arg9: memref<128xi32, #tpu.memory_space<vmem>>, %arg10: memref<32xi32, #tpu.memory_space<vmem>>, %arg11: memref<128x128xf32, #tpu.memory_space<vmem>>, %arg12: memref<10000x128xf32, #tpu.memory_space<vmem_shared>>, %arg13: memref<!tpu.dma_semaphore, #tpu.memory_space<semaphore_mem>>, %arg14: memref<!tpu.dma_semaphore, #tpu.memory_space<semaphore_mem>>, %arg15: memref<!tpu.dma_semaphore, #tpu.memory_space<semaphore_mem>>, %arg16: memref<!tpu.dma_semaphore, #tpu.memory_space<semaphore_mem>>) attributes {dimension_semantics = [#tpu.dimension_semantics<core_parallel>, #tpu.dimension_semantics<subcore_parallel>], iteration_bounds = array<i64: 2, 16>, scalar_prefetch = 0 : i64, scratch_operands = 11 : i64, tpu.core_type = #tpu.core_type<sc_vector_subcore>, window_params = [{transform_indices = #map}, {transform_indices = #map1}, {transform_indices = #map1}, {transform_indices = #map2}]} {
    "tpu.region"() ({
      %run_scoped3A = tpu.sem_alloc : memref<!tpu.dma_semaphore, #tpu.memory_space<semaphore_mem>>
      tpu.enqueue_dma source(%arg4 : memref<128x128xf32, #tpu.memory_space<hbm>>) target(%arg11 : memref<128x128xf32, #tpu.memory_space<vmem>>) target_semaphore(%run_scoped3A : memref<!tpu.dma_semaphore, #tpu.memory_space<semaphore_mem>>)
      tpu.wait_dma2 semaphore(%run_scoped3A : memref<!tpu.dma_semaphore, #tpu.memory_space<semaphore_mem>>) src(%arg4 : memref<128x128xf32, #tpu.memory_space<hbm>>) dst(%arg11 : memref<128x128xf32, #tpu.memory_space<vmem>>)
      tpu.yield
    }) : () -> ()
    %mul3A = arith.constant 624 : i32
    %mul3A_0 = arith.muli %arg1, %mul3A : i32
    %mul3A_1 = arith.constant 624 : i32
    %mul3A_2 = arith.muli %arg1, %mul3A_1 : i32
    "tpu.region"() ({
      %run_scoped3A = tpu.sem_alloc : memref<!tpu.dma_semaphore, #tpu.memory_space<semaphore_mem>>
      %dma_start3A_55 = arith.constant 0 : i32
      %dma_start3A_56 = tpu.memref_slice %arg12[%mul3A_2, %dma_start3A_55] : memref<10000x128xf32, #tpu.memory_space<vmem_shared>> -> memref<624x128xf32, #tpu.memory_space<vmem_shared>>
      %dma_start3A_57 = arith.constant 0 : i32
      %dma_start3A_58 = tpu.memref_slice %arg3[%mul3A_0, %dma_start3A_57] : memref<10000x128xf32, #tpu.memory_space<hbm>> -> memref<624x128xf32, #tpu.memory_space<hbm>>
      tpu.enqueue_dma source(%dma_start3A_58 : memref<624x128xf32, #tpu.memory_space<hbm>>) target(%dma_start3A_56 : memref<624x128xf32, #tpu.memory_space<vmem_shared>>) target_semaphore(%run_scoped3A : memref<!tpu.dma_semaphore, #tpu.memory_space<semaphore_mem>>)
      %dma_wait3A_59 = arith.constant 0 : i32
      %dma_wait3A_60 = tpu.memref_slice %arg12[%mul3A_2, %dma_wait3A_59] : memref<10000x128xf32, #tpu.memory_space<vmem_shared>> -> memref<624x128xf32, #tpu.memory_space<vmem_shared>>
      %dma_wait3A_61 = arith.constant 0 : i32
      %dma_wait3A_62 = tpu.memref_slice %arg3[%mul3A_0, %dma_wait3A_61] : memref<10000x128xf32, #tpu.memory_space<hbm>> -> memref<624x128xf32, #tpu.memory_space<hbm>>
      tpu.wait_dma2 semaphore(%run_scoped3A : memref<!tpu.dma_semaphore, #tpu.memory_space<semaphore_mem>>) src(%dma_wait3A_62 : memref<624x128xf32, #tpu.memory_space<hbm>>) dst(%dma_wait3A_60 : memref<624x128xf32, #tpu.memory_space<vmem_shared>>)
      tpu.yield
    }) : () -> ()
    %eq3A = arith.constant 15 : i32
    %eq3A_3 = arith.cmpi eq, %arg1, %eq3A : i32
    %convert_element_type3A = arith.extui %eq3A_3 : i1 to i32
    %cond3A = arith.constant 0 : i32
    %cond3A_4 = arith.cmpi ne, %convert_element_type3A, %cond3A : i32
    scf.if %cond3A_4 {
      "tpu.region"() ({
        %run_scoped3A = tpu.sem_alloc : memref<!tpu.dma_semaphore, #tpu.memory_space<semaphore_mem>>
        %dma_start3A_55 = arith.constant 9984 : i32
        %dma_start3A_56 = arith.constant 0 : i32
        %dma_start3A_57 = tpu.memref_slice %arg12[%dma_start3A_55, %dma_start3A_56] : memref<10000x128xf32, #tpu.memory_space<vmem_shared>> -> memref<16x128xf32, #tpu.memory_space<vmem_shared>>
        %dma_start3A_58 = arith.constant 9984 : i32
        %dma_start3A_59 = arith.constant 0 : i32
        %dma_start3A_60 = tpu.memref_slice %arg3[%dma_start3A_58, %dma_start3A_59] : memref<10000x128xf32, #tpu.memory_space<hbm>> -> memref<16x128xf32, #tpu.memory_space<hbm>>
        tpu.enqueue_dma source(%dma_start3A_60 : memref<16x128xf32, #tpu.memory_space<hbm>>) target(%dma_start3A_57 : memref<16x128xf32, #tpu.memory_space<vmem_shared>>) target_semaphore(%run_scoped3A : memref<!tpu.dma_semaphore, #tpu.memory_space<semaphore_mem>>)
        %dma_wait3A_61 = arith.constant 9984 : i32
        %dma_wait3A_62 = arith.constant 0 : i32
        %dma_wait3A_63 = tpu.memref_slice %arg12[%dma_wait3A_61, %dma_wait3A_62] : memref<10000x128xf32, #tpu.memory_space<vmem_shared>> -> memref<16x128xf32, #tpu.memory_space<vmem_shared>>
        %dma_wait3A_64 = arith.constant 9984 : i32
        %dma_wait3A_65 = arith.constant 0 : i32
        %dma_wait3A_66 = tpu.memref_slice %arg3[%dma_wait3A_64, %dma_wait3A_65] : memref<10000x128xf32, #tpu.memory_space<hbm>> -> memref<16x128xf32, #tpu.memory_space<hbm>>
        tpu.wait_dma2 semaphore(%run_scoped3A : memref<!tpu.dma_semaphore, #tpu.memory_space<semaphore_mem>>) src(%dma_wait3A_66 : memref<16x128xf32, #tpu.memory_space<hbm>>) dst(%dma_wait3A_63 : memref<16x128xf32, #tpu.memory_space<vmem_shared>>)
        tpu.yield
      }) : () -> ()
    } else {
    }
    %barrier3A = arith.constant 0 : index
    tpu.barrier barrier_id(%barrier3A)
    %mul3A_5 = arith.constant 320000 : i32
    %mul3A_6 = arith.muli %arg0, %mul3A_5 : i32
    %mul3A_7 = arith.constant 20000 : i32
    %mul3A_8 = arith.muli %arg1, %mul3A_7 : i32
    %add3A = arith.addi %mul3A_6, %mul3A_8 : i32
    %add3A_9 = arith.constant 0 : i32
    %add3A_10 = arith.addi %add3A, %add3A_9 : i32
    %dma_start3A = tpu.memref_slice %arg2[%add3A_10] : memref<640000xi32, #tpu.memory_space<hbm>> -> memref<128xi32, #tpu.memory_space<hbm>>
    %dma_start3A_11 = tpu.memref_slice %arg2[%add3A_10] : memref<640000xi32, #tpu.memory_space<hbm>> -> memref<128xi32, #tpu.memory_space<hbm>>
    tpu.enqueue_dma source(%dma_start3A_11 : memref<128xi32, #tpu.memory_space<hbm>>) target(%arg6 : memref<128xi32, #tpu.memory_space<vmem>>) target_semaphore(%arg13 : memref<!tpu.dma_semaphore, #tpu.memory_space<semaphore_mem>>)
    %add3A_12 = arith.constant 128 : i32
    %add3A_13 = arith.addi %add3A, %add3A_12 : i32
    %dma_start3A_14 = tpu.memref_slice %arg2[%add3A_13] : memref<640000xi32, #tpu.memory_space<hbm>> -> memref<128xi32, #tpu.memory_space<hbm>>
    %dma_start3A_15 = tpu.memref_slice %arg2[%add3A_13] : memref<640000xi32, #tpu.memory_space<hbm>> -> memref<128xi32, #tpu.memory_space<hbm>>
    tpu.enqueue_dma source(%dma_start3A_15 : memref<128xi32, #tpu.memory_space<hbm>>) target(%arg7 : memref<128xi32, #tpu.memory_space<vmem>>) target_semaphore(%arg14 : memref<!tpu.dma_semaphore, #tpu.memory_space<semaphore_mem>>)
    %add3A_16 = arith.constant 256 : i32
    %add3A_17 = arith.addi %add3A, %add3A_16 : i32
    %dma_start3A_18 = tpu.memref_slice %arg2[%add3A_17] : memref<640000xi32, #tpu.memory_space<hbm>> -> memref<128xi32, #tpu.memory_space<hbm>>
    %dma_start3A_19 = tpu.memref_slice %arg2[%add3A_17] : memref<640000xi32, #tpu.memory_space<hbm>> -> memref<128xi32, #tpu.memory_space<hbm>>
    tpu.enqueue_dma source(%dma_start3A_19 : memref<128xi32, #tpu.memory_space<hbm>>) target(%arg8 : memref<128xi32, #tpu.memory_space<vmem>>) target_semaphore(%arg15 : memref<!tpu.dma_semaphore, #tpu.memory_space<semaphore_mem>>)
    %add3A_20 = arith.constant 384 : i32
    %add3A_21 = arith.addi %add3A, %add3A_20 : i32
    %dma_start3A_22 = tpu.memref_slice %arg2[%add3A_21] : memref<640000xi32, #tpu.memory_space<hbm>> -> memref<128xi32, #tpu.memory_space<hbm>>
    %dma_start3A_23 = tpu.memref_slice %arg2[%add3A_21] : memref<640000xi32, #tpu.memory_space<hbm>> -> memref<128xi32, #tpu.memory_space<hbm>>
    tpu.enqueue_dma source(%dma_start3A_23 : memref<128xi32, #tpu.memory_space<hbm>>) target(%arg9 : memref<128xi32, #tpu.memory_space<vmem>>) target_semaphore(%arg16 : memref<!tpu.dma_semaphore, #tpu.memory_space<semaphore_mem>>)
    %scan3A = arith.constant 0 : i32
    %scan3A_24 = arith.constant 38 : i32
    %scan3A_25 = arith.addi %scan3A, %scan3A_24 : i32
    %scan3A_26 = arith.constant 1 : i32
    scf.for %scan3A_55 = %scan3A to %scan3A_25 step %scan3A_26  : i32 {
      %mul3A_56 = arith.constant 1 : i32
      %mul3A_57 = arith.muli %scan3A_55, %mul3A_56 : i32
      %add3A_58 = arith.constant 0 : i32
      %add3A_59 = arith.addi %add3A_58, %mul3A_57 : i32
      %dma_wait3A_60 = arith.constant 0 : i32
      %dma_wait3A_61 = tpu.memref_slice %arg2[%dma_wait3A_60] : memref<640000xi32, #tpu.memory_space<hbm>> -> memref<128xi32, #tpu.memory_space<hbm>>
      %dma_wait3A_62 = arith.constant 0 : i32
      %dma_wait3A_63 = tpu.memref_slice %arg2[%dma_wait3A_62] : memref<640000xi32, #tpu.memory_space<hbm>> -> memref<128xi32, #tpu.memory_space<hbm>>
      tpu.wait_dma2 semaphore(%arg13 : memref<!tpu.dma_semaphore, #tpu.memory_space<semaphore_mem>>) src(%dma_wait3A_63 : memref<128xi32, #tpu.memory_space<hbm>>) dst(%arg6 : memref<128xi32, #tpu.memory_space<vmem>>)
      "tpu.region"() ({
        %run_scoped3A = tpu.sem_alloc : memref<!tpu.dma_semaphore, #tpu.memory_space<semaphore_mem>>
        %dma_start3A_120 = arith.constant 0 : i32
        %dma_start3A_121 = arith.constant 0 : i32
        %dma_start3A_122 = tpu.memref_slice %arg12[%dma_start3A_120, %dma_start3A_121] : memref<10000x128xf32, #tpu.memory_space<vmem_shared>> -> memref<10000x128xf32, #tpu.memory_space<vmem_shared>>
        tpu.enqueue_indirect_dma source(%arg11 : memref<128x128xf32, #tpu.memory_space<vmem>>) target(%dma_start3A_122 : memref<10000x128xf32, #tpu.memory_space<vmem_shared>>) offsets(%arg6 : memref<128xi32, #tpu.memory_space<vmem>>) semaphore(%run_scoped3A : memref<!tpu.dma_semaphore, #tpu.memory_space<semaphore_mem>>) {add = true}
        %dma_wait3A_123 = arith.constant 0 : i32
        %dma_wait3A_124 = arith.constant 0 : i32
        %dma_wait3A_125 = tpu.memref_slice %arg12[%dma_wait3A_123, %dma_wait3A_124] : memref<10000x128xf32, #tpu.memory_space<vmem_shared>> -> memref<10000x128xf32, #tpu.memory_space<vmem_shared>>
        tpu.wait_indirect_dma semaphore(%run_scoped3A : memref<!tpu.dma_semaphore, #tpu.memory_space<semaphore_mem>>) src(%arg11 : memref<128x128xf32, #tpu.memory_space<vmem>>) dst(%dma_wait3A_125 : memref<10000x128xf32, #tpu.memory_space<vmem_shared>>)
        tpu.yield
      }) : () -> ()
      %mul3A_64 = arith.constant 4 : i32
      %mul3A_65 = arith.muli %mul3A_64, %add3A_59 : i32
      %add3A_66 = arith.constant 0 : i32
      %add3A_67 = arith.addi %mul3A_65, %add3A_66 : i32
      %add3A_68 = arith.constant 4 : i32
      %add3A_69 = arith.addi %add3A_67, %add3A_68 : i32
      %mul3A_70 = arith.constant 128 : i32
      %mul3A_71 = arith.muli %add3A_69, %mul3A_70 : i32
      %add3A_72 = arith.addi %add3A, %mul3A_71 : i32
      %dma_start3A_73 = tpu.memref_slice %arg2[%add3A_72] : memref<640000xi32, #tpu.memory_space<hbm>> -> memref<128xi32, #tpu.memory_space<hbm>>
      %dma_start3A_74 = tpu.memref_slice %arg2[%add3A_72] : memref<640000xi32, #tpu.memory_space<hbm>> -> memref<128xi32, #tpu.memory_space<hbm>>
      tpu.enqueue_dma source(%dma_start3A_74 : memref<128xi32, #tpu.memory_space<hbm>>) target(%arg6 : memref<128xi32, #tpu.memory_space<vmem>>) target_semaphore(%arg13 : memref<!tpu.dma_semaphore, #tpu.memory_space<semaphore_mem>>)
      %dma_wait3A_75 = arith.constant 0 : i32
      %dma_wait3A_76 = tpu.memref_slice %arg2[%dma_wait3A_75] : memref<640000xi32, #tpu.memory_space<hbm>> -> memref<128xi32, #tpu.memory_space<hbm>>
      %dma_wait3A_77 = arith.constant 0 : i32
      %dma_wait3A_78 = tpu.memref_slice %arg2[%dma_wait3A_77] : memref<640000xi32, #tpu.memory_space<hbm>> -> memref<128xi32, #tpu.memory_space<hbm>>
      tpu.wait_dma2 semaphore(%arg14 : memref<!tpu.dma_semaphore, #tpu.memory_space<semaphore_mem>>) src(%dma_wait3A_78 : memref<128xi32, #tpu.memory_space<hbm>>) dst(%arg7 : memref<128xi32, #tpu.memory_space<vmem>>)
      "tpu.region"() ({
        %run_scoped3A = tpu.sem_alloc : memref<!tpu.dma_semaphore, #tpu.memory_space<semaphore_mem>>
        %dma_start3A_120 = arith.constant 0 : i32
        %dma_start3A_121 = arith.constant 0 : i32
        %dma_start3A_122 = tpu.memref_slice %arg12[%dma_start3A_120, %dma_start3A_121] : memref<10000x128xf32, #tpu.memory_space<vmem_shared>> -> memref<10000x128xf32, #tpu.memory_space<vmem_shared>>
        tpu.enqueue_indirect_dma source(%arg11 : memref<128x128xf32, #tpu.memory_space<vmem>>) target(%dma_start3A_122 : memref<10000x128xf32, #tpu.memory_space<vmem_shared>>) offsets(%arg7 : memref<128xi32, #tpu.memory_space<vmem>>) semaphore(%run_scoped3A : memref<!tpu.dma_semaphore, #tpu.memory_space<semaphore_mem>>) {add = true}
        %dma_wait3A_123 = arith.constant 0 : i32
        %dma_wait3A_124 = arith.constant 0 : i32
        %dma_wait3A_125 = tpu.memref_slice %arg12[%dma_wait3A_123, %dma_wait3A_124] : memref<10000x128xf32, #tpu.memory_space<vmem_shared>> -> memref<10000x128xf32, #tpu.memory_space<vmem_shared>>
        tpu.wait_indirect_dma semaphore(%run_scoped3A : memref<!tpu.dma_semaphore, #tpu.memory_space<semaphore_mem>>) src(%arg11 : memref<128x128xf32, #tpu.memory_space<vmem>>) dst(%dma_wait3A_125 : memref<10000x128xf32, #tpu.memory_space<vmem_shared>>)
        tpu.yield
      }) : () -> ()
      %mul3A_79 = arith.constant 4 : i32
      %mul3A_80 = arith.muli %mul3A_79, %add3A_59 : i32
      %add3A_81 = arith.constant 1 : i32
      %add3A_82 = arith.addi %mul3A_80, %add3A_81 : i32
      %add3A_83 = arith.constant 4 : i32
      %add3A_84 = arith.addi %add3A_82, %add3A_83 : i32
      %mul3A_85 = arith.constant 128 : i32
      %mul3A_86 = arith.muli %add3A_84, %mul3A_85 : i32
      %add3A_87 = arith.addi %add3A, %mul3A_86 : i32
      %dma_start3A_88 = tpu.memref_slice %arg2[%add3A_87] : memref<640000xi32, #tpu.memory_space<hbm>> -> memref<128xi32, #tpu.memory_space<hbm>>
      %dma_start3A_89 = tpu.memref_slice %arg2[%add3A_87] : memref<640000xi32, #tpu.memory_space<hbm>> -> memref<128xi32, #tpu.memory_space<hbm>>
      tpu.enqueue_dma source(%dma_start3A_89 : memref<128xi32, #tpu.memory_space<hbm>>) target(%arg7 : memref<128xi32, #tpu.memory_space<vmem>>) target_semaphore(%arg14 : memref<!tpu.dma_semaphore, #tpu.memory_space<semaphore_mem>>)
      %dma_wait3A_90 = arith.constant 0 : i32
      %dma_wait3A_91 = tpu.memref_slice %arg2[%dma_wait3A_90] : memref<640000xi32, #tpu.memory_space<hbm>> -> memref<128xi32, #tpu.memory_space<hbm>>
      %dma_wait3A_92 = arith.constant 0 : i32
      %dma_wait3A_93 = tpu.memref_slice %arg2[%dma_wait3A_92] : memref<640000xi32, #tpu.memory_space<hbm>> -> memref<128xi32, #tpu.memory_space<hbm>>
      tpu.wait_dma2 semaphore(%arg15 : memref<!tpu.dma_semaphore, #tpu.memory_space<semaphore_mem>>) src(%dma_wait3A_93 : memref<128xi32, #tpu.memory_space<hbm>>) dst(%arg8 : memref<128xi32, #tpu.memory_space<vmem>>)
      "tpu.region"() ({
        %run_scoped3A = tpu.sem_alloc : memref<!tpu.dma_semaphore, #tpu.memory_space<semaphore_mem>>
        %dma_start3A_120 = arith.constant 0 : i32
        %dma_start3A_121 = arith.constant 0 : i32
        %dma_start3A_122 = tpu.memref_slice %arg12[%dma_start3A_120, %dma_start3A_121] : memref<10000x128xf32, #tpu.memory_space<vmem_shared>> -> memref<10000x128xf32, #tpu.memory_space<vmem_shared>>
        tpu.enqueue_indirect_dma source(%arg11 : memref<128x128xf32, #tpu.memory_space<vmem>>) target(%dma_start3A_122 : memref<10000x128xf32, #tpu.memory_space<vmem_shared>>) offsets(%arg8 : memref<128xi32, #tpu.memory_space<vmem>>) semaphore(%run_scoped3A : memref<!tpu.dma_semaphore, #tpu.memory_space<semaphore_mem>>) {add = true}
        %dma_wait3A_123 = arith.constant 0 : i32
        %dma_wait3A_124 = arith.constant 0 : i32
        %dma_wait3A_125 = tpu.memref_slice %arg12[%dma_wait3A_123, %dma_wait3A_124] : memref<10000x128xf32, #tpu.memory_space<vmem_shared>> -> memref<10000x128xf32, #tpu.memory_space<vmem_shared>>
        tpu.wait_indirect_dma semaphore(%run_scoped3A : memref<!tpu.dma_semaphore, #tpu.memory_space<semaphore_mem>>) src(%arg11 : memref<128x128xf32, #tpu.memory_space<vmem>>) dst(%dma_wait3A_125 : memref<10000x128xf32, #tpu.memory_space<vmem_shared>>)
        tpu.yield
      }) : () -> ()
      %mul3A_94 = arith.constant 4 : i32
      %mul3A_95 = arith.muli %mul3A_94, %add3A_59 : i32
      %add3A_96 = arith.constant 2 : i32
      %add3A_97 = arith.addi %mul3A_95, %add3A_96 : i32
      %add3A_98 = arith.constant 4 : i32
      %add3A_99 = arith.addi %add3A_97, %add3A_98 : i32
      %mul3A_100 = arith.constant 128 : i32
      %mul3A_101 = arith.muli %add3A_99, %mul3A_100 : i32
      %add3A_102 = arith.addi %add3A, %mul3A_101 : i32
      %dma_start3A_103 = tpu.memref_slice %arg2[%add3A_102] : memref<640000xi32, #tpu.memory_space<hbm>> -> memref<128xi32, #tpu.memory_space<hbm>>
      %dma_start3A_104 = tpu.memref_slice %arg2[%add3A_102] : memref<640000xi32, #tpu.memory_space<hbm>> -> memref<128xi32, #tpu.memory_space<hbm>>
      tpu.enqueue_dma source(%dma_start3A_104 : memref<128xi32, #tpu.memory_space<hbm>>) target(%arg8 : memref<128xi32, #tpu.memory_space<vmem>>) target_semaphore(%arg15 : memref<!tpu.dma_semaphore, #tpu.memory_space<semaphore_mem>>)
      %dma_wait3A_105 = arith.constant 0 : i32
      %dma_wait3A_106 = tpu.memref_slice %arg2[%dma_wait3A_105] : memref<640000xi32, #tpu.memory_space<hbm>> -> memref<128xi32, #tpu.memory_space<hbm>>
      %dma_wait3A_107 = arith.constant 0 : i32
      %dma_wait3A_108 = tpu.memref_slice %arg2[%dma_wait3A_107] : memref<640000xi32, #tpu.memory_space<hbm>> -> memref<128xi32, #tpu.memory_space<hbm>>
      tpu.wait_dma2 semaphore(%arg16 : memref<!tpu.dma_semaphore, #tpu.memory_space<semaphore_mem>>) src(%dma_wait3A_108 : memref<128xi32, #tpu.memory_space<hbm>>) dst(%arg9 : memref<128xi32, #tpu.memory_space<vmem>>)
      "tpu.region"() ({
        %run_scoped3A = tpu.sem_alloc : memref<!tpu.dma_semaphore, #tpu.memory_space<semaphore_mem>>
        %dma_start3A_120 = arith.constant 0 : i32
        %dma_start3A_121 = arith.constant 0 : i32
        %dma_start3A_122 = tpu.memref_slice %arg12[%dma_start3A_120, %dma_start3A_121] : memref<10000x128xf32, #tpu.memory_space<vmem_shared>> -> memref<10000x128xf32, #tpu.memory_space<vmem_shared>>
        tpu.enqueue_indirect_dma source(%arg11 : memref<128x128xf32, #tpu.memory_space<vmem>>) target(%dma_start3A_122 : memref<10000x128xf32, #tpu.memory_space<vmem_shared>>) offsets(%arg9 : memref<128xi32, #tpu.memory_space<vmem>>) semaphore(%run_scoped3A : memref<!tpu.dma_semaphore, #tpu.memory_space<semaphore_mem>>) {add = true}
        %dma_wait3A_123 = arith.constant 0 : i32
        %dma_wait3A_124 = arith.constant 0 : i32
        %dma_wait3A_125 = tpu.memref_slice %arg12[%dma_wait3A_123, %dma_wait3A_124] : memref<10000x128xf32, #tpu.memory_space<vmem_shared>> -> memref<10000x128xf32, #tpu.memory_space<vmem_shared>>
        tpu.wait_indirect_dma semaphore(%run_scoped3A : memref<!tpu.dma_semaphore, #tpu.memory_space<semaphore_mem>>) src(%arg11 : memref<128x128xf32, #tpu.memory_space<vmem>>) dst(%dma_wait3A_125 : memref<10000x128xf32, #tpu.memory_space<vmem_shared>>)
        tpu.yield
      }) : () -> ()
      %mul3A_109 = arith.constant 4 : i32
      %mul3A_110 = arith.muli %mul3A_109, %add3A_59 : i32
      %add3A_111 = arith.constant 3 : i32
      %add3A_112 = arith.addi %mul3A_110, %add3A_111 : i32
      %add3A_113 = arith.constant 4 : i32
      %add3A_114 = arith.addi %add3A_112, %add3A_113 : i32
      %mul3A_115 = arith.constant 128 : i32
      %mul3A_116 = arith.muli %add3A_114, %mul3A_115 : i32
      %add3A_117 = arith.addi %add3A, %mul3A_116 : i32
      %dma_start3A_118 = tpu.memref_slice %arg2[%add3A_117] : memref<640000xi32, #tpu.memory_space<hbm>> -> memref<128xi32, #tpu.memory_space<hbm>>
      %dma_start3A_119 = tpu.memref_slice %arg2[%add3A_117] : memref<640000xi32, #tpu.memory_space<hbm>> -> memref<128xi32, #tpu.memory_space<hbm>>
      tpu.enqueue_dma source(%dma_start3A_119 : memref<128xi32, #tpu.memory_space<hbm>>) target(%arg9 : memref<128xi32, #tpu.memory_space<vmem>>) target_semaphore(%arg16 : memref<!tpu.dma_semaphore, #tpu.memory_space<semaphore_mem>>)
    }
    %scan3A_27 = arith.constant 38 : i32
    %dma_wait3A = arith.constant 0 : i32
    %dma_wait3A_28 = tpu.memref_slice %arg2[%dma_wait3A] : memref<640000xi32, #tpu.memory_space<hbm>> -> memref<128xi32, #tpu.memory_space<hbm>>
    %dma_wait3A_29 = arith.constant 0 : i32
    %dma_wait3A_30 = tpu.memref_slice %arg2[%dma_wait3A_29] : memref<640000xi32, #tpu.memory_space<hbm>> -> memref<128xi32, #tpu.memory_space<hbm>>
    tpu.wait_dma2 semaphore(%arg13 : memref<!tpu.dma_semaphore, #tpu.memory_space<semaphore_mem>>) src(%dma_wait3A_30 : memref<128xi32, #tpu.memory_space<hbm>>) dst(%arg6 : memref<128xi32, #tpu.memory_space<vmem>>)
    "tpu.region"() ({
      %run_scoped3A = tpu.sem_alloc : memref<!tpu.dma_semaphore, #tpu.memory_space<semaphore_mem>>
      %dma_start3A_55 = arith.constant 0 : i32
      %dma_start3A_56 = arith.constant 0 : i32
      %dma_start3A_57 = tpu.memref_slice %arg12[%dma_start3A_55, %dma_start3A_56] : memref<10000x128xf32, #tpu.memory_space<vmem_shared>> -> memref<10000x128xf32, #tpu.memory_space<vmem_shared>>
      tpu.enqueue_indirect_dma source(%arg11 : memref<128x128xf32, #tpu.memory_space<vmem>>) target(%dma_start3A_57 : memref<10000x128xf32, #tpu.memory_space<vmem_shared>>) offsets(%arg6 : memref<128xi32, #tpu.memory_space<vmem>>) semaphore(%run_scoped3A : memref<!tpu.dma_semaphore, #tpu.memory_space<semaphore_mem>>) {add = true}
      %dma_wait3A_58 = arith.constant 0 : i32
      %dma_wait3A_59 = arith.constant 0 : i32
      %dma_wait3A_60 = tpu.memref_slice %arg12[%dma_wait3A_58, %dma_wait3A_59] : memref<10000x128xf32, #tpu.memory_space<vmem_shared>> -> memref<10000x128xf32, #tpu.memory_space<vmem_shared>>
      tpu.wait_indirect_dma semaphore(%run_scoped3A : memref<!tpu.dma_semaphore, #tpu.memory_space<semaphore_mem>>) src(%arg11 : memref<128x128xf32, #tpu.memory_space<vmem>>) dst(%dma_wait3A_60 : memref<10000x128xf32, #tpu.memory_space<vmem_shared>>)
      tpu.yield
    }) : () -> ()
    %dma_wait3A_31 = arith.constant 0 : i32
    %dma_wait3A_32 = tpu.memref_slice %arg2[%dma_wait3A_31] : memref<640000xi32, #tpu.memory_space<hbm>> -> memref<128xi32, #tpu.memory_space<hbm>>
    %dma_wait3A_33 = arith.constant 0 : i32
    %dma_wait3A_34 = tpu.memref_slice %arg2[%dma_wait3A_33] : memref<640000xi32, #tpu.memory_space<hbm>> -> memref<128xi32, #tpu.memory_space<hbm>>
    tpu.wait_dma2 semaphore(%arg14 : memref<!tpu.dma_semaphore, #tpu.memory_space<semaphore_mem>>) src(%dma_wait3A_34 : memref<128xi32, #tpu.memory_space<hbm>>) dst(%arg7 : memref<128xi32, #tpu.memory_space<vmem>>)
    "tpu.region"() ({
      %run_scoped3A = tpu.sem_alloc : memref<!tpu.dma_semaphore, #tpu.memory_space<semaphore_mem>>
      %dma_start3A_55 = arith.constant 0 : i32
      %dma_start3A_56 = arith.constant 0 : i32
      %dma_start3A_57 = tpu.memref_slice %arg12[%dma_start3A_55, %dma_start3A_56] : memref<10000x128xf32, #tpu.memory_space<vmem_shared>> -> memref<10000x128xf32, #tpu.memory_space<vmem_shared>>
      tpu.enqueue_indirect_dma source(%arg11 : memref<128x128xf32, #tpu.memory_space<vmem>>) target(%dma_start3A_57 : memref<10000x128xf32, #tpu.memory_space<vmem_shared>>) offsets(%arg7 : memref<128xi32, #tpu.memory_space<vmem>>) semaphore(%run_scoped3A : memref<!tpu.dma_semaphore, #tpu.memory_space<semaphore_mem>>) {add = true}
      %dma_wait3A_58 = arith.constant 0 : i32
      %dma_wait3A_59 = arith.constant 0 : i32
      %dma_wait3A_60 = tpu.memref_slice %arg12[%dma_wait3A_58, %dma_wait3A_59] : memref<10000x128xf32, #tpu.memory_space<vmem_shared>> -> memref<10000x128xf32, #tpu.memory_space<vmem_shared>>
      tpu.wait_indirect_dma semaphore(%run_scoped3A : memref<!tpu.dma_semaphore, #tpu.memory_space<semaphore_mem>>) src(%arg11 : memref<128x128xf32, #tpu.memory_space<vmem>>) dst(%dma_wait3A_60 : memref<10000x128xf32, #tpu.memory_space<vmem_shared>>)
      tpu.yield
    }) : () -> ()
    %dma_wait3A_35 = arith.constant 0 : i32
    %dma_wait3A_36 = tpu.memref_slice %arg2[%dma_wait3A_35] : memref<640000xi32, #tpu.memory_space<hbm>> -> memref<128xi32, #tpu.memory_space<hbm>>
    %dma_wait3A_37 = arith.constant 0 : i32
    %dma_wait3A_38 = tpu.memref_slice %arg2[%dma_wait3A_37] : memref<640000xi32, #tpu.memory_space<hbm>> -> memref<128xi32, #tpu.memory_space<hbm>>
    tpu.wait_dma2 semaphore(%arg15 : memref<!tpu.dma_semaphore, #tpu.memory_space<semaphore_mem>>) src(%dma_wait3A_38 : memref<128xi32, #tpu.memory_space<hbm>>) dst(%arg8 : memref<128xi32, #tpu.memory_space<vmem>>)
    "tpu.region"() ({
      %run_scoped3A = tpu.sem_alloc : memref<!tpu.dma_semaphore, #tpu.memory_space<semaphore_mem>>
      %dma_start3A_55 = arith.constant 0 : i32
      %dma_start3A_56 = arith.constant 0 : i32
      %dma_start3A_57 = tpu.memref_slice %arg12[%dma_start3A_55, %dma_start3A_56] : memref<10000x128xf32, #tpu.memory_space<vmem_shared>> -> memref<10000x128xf32, #tpu.memory_space<vmem_shared>>
      tpu.enqueue_indirect_dma source(%arg11 : memref<128x128xf32, #tpu.memory_space<vmem>>) target(%dma_start3A_57 : memref<10000x128xf32, #tpu.memory_space<vmem_shared>>) offsets(%arg8 : memref<128xi32, #tpu.memory_space<vmem>>) semaphore(%run_scoped3A : memref<!tpu.dma_semaphore, #tpu.memory_space<semaphore_mem>>) {add = true}
      %dma_wait3A_58 = arith.constant 0 : i32
      %dma_wait3A_59 = arith.constant 0 : i32
      %dma_wait3A_60 = tpu.memref_slice %arg12[%dma_wait3A_58, %dma_wait3A_59] : memref<10000x128xf32, #tpu.memory_space<vmem_shared>> -> memref<10000x128xf32, #tpu.memory_space<vmem_shared>>
      tpu.wait_indirect_dma semaphore(%run_scoped3A : memref<!tpu.dma_semaphore, #tpu.memory_space<semaphore_mem>>) src(%arg11 : memref<128x128xf32, #tpu.memory_space<vmem>>) dst(%dma_wait3A_60 : memref<10000x128xf32, #tpu.memory_space<vmem_shared>>)
      tpu.yield
    }) : () -> ()
    %dma_wait3A_39 = arith.constant 0 : i32
    %dma_wait3A_40 = tpu.memref_slice %arg2[%dma_wait3A_39] : memref<640000xi32, #tpu.memory_space<hbm>> -> memref<128xi32, #tpu.memory_space<hbm>>
    %dma_wait3A_41 = arith.constant 0 : i32
    %dma_wait3A_42 = tpu.memref_slice %arg2[%dma_wait3A_41] : memref<640000xi32, #tpu.memory_space<hbm>> -> memref<128xi32, #tpu.memory_space<hbm>>
    tpu.wait_dma2 semaphore(%arg16 : memref<!tpu.dma_semaphore, #tpu.memory_space<semaphore_mem>>) src(%dma_wait3A_42 : memref<128xi32, #tpu.memory_space<hbm>>) dst(%arg9 : memref<128xi32, #tpu.memory_space<vmem>>)
    "tpu.region"() ({
      %run_scoped3A = tpu.sem_alloc : memref<!tpu.dma_semaphore, #tpu.memory_space<semaphore_mem>>
      %dma_start3A_55 = arith.constant 0 : i32
      %dma_start3A_56 = arith.constant 0 : i32
      %dma_start3A_57 = tpu.memref_slice %arg12[%dma_start3A_55, %dma_start3A_56] : memref<10000x128xf32, #tpu.memory_space<vmem_shared>> -> memref<10000x128xf32, #tpu.memory_space<vmem_shared>>
      tpu.enqueue_indirect_dma source(%arg11 : memref<128x128xf32, #tpu.memory_space<vmem>>) target(%dma_start3A_57 : memref<10000x128xf32, #tpu.memory_space<vmem_shared>>) offsets(%arg9 : memref<128xi32, #tpu.memory_space<vmem>>) semaphore(%run_scoped3A : memref<!tpu.dma_semaphore, #tpu.memory_space<semaphore_mem>>) {add = true}
      %dma_wait3A_58 = arith.constant 0 : i32
      %dma_wait3A_59 = arith.constant 0 : i32
      %dma_wait3A_60 = tpu.memref_slice %arg12[%dma_wait3A_58, %dma_wait3A_59] : memref<10000x128xf32, #tpu.memory_space<vmem_shared>> -> memref<10000x128xf32, #tpu.memory_space<vmem_shared>>
      tpu.wait_indirect_dma semaphore(%run_scoped3A : memref<!tpu.dma_semaphore, #tpu.memory_space<semaphore_mem>>) src(%arg11 : memref<128x128xf32, #tpu.memory_space<vmem>>) dst(%dma_wait3A_60 : memref<10000x128xf32, #tpu.memory_space<vmem_shared>>)
      tpu.yield
    }) : () -> ()
    %add3A_43 = arith.constant 19968 : i32
    %add3A_44 = arith.addi %add3A, %add3A_43 : i32
    "tpu.region"() ({
      %run_scoped3A = tpu.sem_alloc : memref<!tpu.dma_semaphore, #tpu.memory_space<semaphore_mem>>
      %dma_start3A_55 = tpu.memref_slice %arg2[%add3A_44] : memref<640000xi32, #tpu.memory_space<hbm>> -> memref<32xi32, #tpu.memory_space<hbm>>
      %dma_start3A_56 = tpu.memref_slice %arg2[%add3A_44] : memref<640000xi32, #tpu.memory_space<hbm>> -> memref<32xi32, #tpu.memory_space<hbm>>
      tpu.enqueue_dma source(%dma_start3A_56 : memref<32xi32, #tpu.memory_space<hbm>>) target(%arg10 : memref<32xi32, #tpu.memory_space<vmem>>) target_semaphore(%run_scoped3A : memref<!tpu.dma_semaphore, #tpu.memory_space<semaphore_mem>>)
      %dma_wait3A_57 = tpu.memref_slice %arg2[%add3A_44] : memref<640000xi32, #tpu.memory_space<hbm>> -> memref<32xi32, #tpu.memory_space<hbm>>
      %dma_wait3A_58 = tpu.memref_slice %arg2[%add3A_44] : memref<640000xi32, #tpu.memory_space<hbm>> -> memref<32xi32, #tpu.memory_space<hbm>>
      tpu.wait_dma2 semaphore(%run_scoped3A : memref<!tpu.dma_semaphore, #tpu.memory_space<semaphore_mem>>) src(%dma_wait3A_58 : memref<32xi32, #tpu.memory_space<hbm>>) dst(%arg10 : memref<32xi32, #tpu.memory_space<vmem>>)
      tpu.yield
    }) : () -> ()
    "tpu.region"() ({
      %run_scoped3A = tpu.sem_alloc : memref<!tpu.dma_semaphore, #tpu.memory_space<semaphore_mem>>
      %dma_start3A_55 = arith.constant 0 : i32
      %dma_start3A_56 = arith.constant 0 : i32
      %dma_start3A_57 = tpu.memref_slice %arg11[%dma_start3A_55, %dma_start3A_56] : memref<128x128xf32, #tpu.memory_space<vmem>> -> memref<32x128xf32, #tpu.memory_space<vmem>>
      %dma_start3A_58 = arith.constant 0 : i32
      %dma_start3A_59 = arith.constant 0 : i32
      %dma_start3A_60 = tpu.memref_slice %arg12[%dma_start3A_58, %dma_start3A_59] : memref<10000x128xf32, #tpu.memory_space<vmem_shared>> -> memref<10000x128xf32, #tpu.memory_space<vmem_shared>>
      tpu.enqueue_indirect_dma source(%dma_start3A_57 : memref<32x128xf32, #tpu.memory_space<vmem>>) target(%dma_start3A_60 : memref<10000x128xf32, #tpu.memory_space<vmem_shared>>) offsets(%arg10 : memref<32xi32, #tpu.memory_space<vmem>>) semaphore(%run_scoped3A : memref<!tpu.dma_semaphore, #tpu.memory_space<semaphore_mem>>) {add = true}
      %dma_wait3A_61 = arith.constant 0 : i32
      %dma_wait3A_62 = arith.constant 0 : i32
      %dma_wait3A_63 = tpu.memref_slice %arg11[%dma_wait3A_61, %dma_wait3A_62] : memref<128x128xf32, #tpu.memory_space<vmem>> -> memref<32x128xf32, #tpu.memory_space<vmem>>
      %dma_wait3A_64 = arith.constant 0 : i32
      %dma_wait3A_65 = arith.constant 0 : i32
      %dma_wait3A_66 = tpu.memref_slice %arg12[%dma_wait3A_64, %dma_wait3A_65] : memref<10000x128xf32, #tpu.memory_space<vmem_shared>> -> memref<10000x128xf32, #tpu.memory_space<vmem_shared>>
      tpu.wait_indirect_dma semaphore(%run_scoped3A : memref<!tpu.dma_semaphore, #tpu.memory_space<semaphore_mem>>) src(%dma_wait3A_63 : memref<32x128xf32, #tpu.memory_space<vmem>>) dst(%dma_wait3A_66 : memref<10000x128xf32, #tpu.memory_space<vmem_shared>>)
      tpu.yield
    }) : () -> ()
    %barrier3A_45 = arith.constant 0 : index
    tpu.barrier barrier_id(%barrier3A_45)
    %mul3A_46 = arith.constant 624 : i32
    %mul3A_47 = arith.muli %arg1, %mul3A_46 : i32
    %mul3A_48 = arith.constant 624 : i32
    %mul3A_49 = arith.muli %arg1, %mul3A_48 : i32
    "tpu.region"() ({
      %run_scoped3A = tpu.sem_alloc : memref<!tpu.dma_semaphore, #tpu.memory_space<semaphore_mem>>
      %dma_start3A_55 = arith.constant 0 : i32
      %dma_start3A_56 = tpu.memref_slice %arg5[%arg0, %mul3A_49, %dma_start3A_55] : memref<2x10000x128xf32, #tpu.memory_space<hbm>> -> memref<1x624x128xf32, #tpu.memory_space<hbm>>
      %dma_start3A_57 = tpu.memref_squeeze %dma_start3A_56 : memref<1x624x128xf32, #tpu.memory_space<hbm>> -> memref<624x128xf32, #tpu.memory_space<hbm>>
      %dma_start3A_58 = arith.constant 0 : i32
      %dma_start3A_59 = tpu.memref_slice %arg12[%mul3A_47, %dma_start3A_58] : memref<10000x128xf32, #tpu.memory_space<vmem_shared>> -> memref<624x128xf32, #tpu.memory_space<vmem_shared>>
      tpu.enqueue_dma source(%dma_start3A_59 : memref<624x128xf32, #tpu.memory_space<vmem_shared>>) target(%dma_start3A_57 : memref<624x128xf32, #tpu.memory_space<hbm>>) target_semaphore(%run_scoped3A : memref<!tpu.dma_semaphore, #tpu.memory_space<semaphore_mem>>)
      %dma_wait3A_60 = arith.constant 0 : i32
      %dma_wait3A_61 = tpu.memref_slice %arg5[%arg0, %mul3A_49, %dma_wait3A_60] : memref<2x10000x128xf32, #tpu.memory_space<hbm>> -> memref<1x624x128xf32, #tpu.memory_space<hbm>>
      %dma_wait3A_62 = tpu.memref_squeeze %dma_wait3A_61 : memref<1x624x128xf32, #tpu.memory_space<hbm>> -> memref<624x128xf32, #tpu.memory_space<hbm>>
      %dma_wait3A_63 = arith.constant 0 : i32
      %dma_wait3A_64 = tpu.memref_slice %arg12[%mul3A_47, %dma_wait3A_63] : memref<10000x128xf32, #tpu.memory_space<vmem_shared>> -> memref<624x128xf32, #tpu.memory_space<vmem_shared>>
      tpu.wait_dma2 semaphore(%run_scoped3A : memref<!tpu.dma_semaphore, #tpu.memory_space<semaphore_mem>>) src(%dma_wait3A_64 : memref<624x128xf32, #tpu.memory_space<vmem_shared>>) dst(%dma_wait3A_62 : memref<624x128xf32, #tpu.memory_space<hbm>>)
      tpu.yield
    }) : () -> ()
    %eq3A_50 = arith.constant 15 : i32
    %eq3A_51 = arith.cmpi eq, %arg1, %eq3A_50 : i32
    %convert_element_type3A_52 = arith.extui %eq3A_51 : i1 to i32
    %cond3A_53 = arith.constant 0 : i32
    %cond3A_54 = arith.cmpi ne, %convert_element_type3A_52, %cond3A_53 : i32
    scf.if %cond3A_54 {
      "tpu.region"() ({
        %run_scoped3A = tpu.sem_alloc : memref<!tpu.dma_semaphore, #tpu.memory_space<semaphore_mem>>
        %dma_start3A_55 = arith.constant 9984 : i32
        %dma_start3A_56 = arith.constant 0 : i32
        %dma_start3A_57 = tpu.memref_slice %arg5[%arg0, %dma_start3A_55, %dma_start3A_56] : memref<2x10000x128xf32, #tpu.memory_space<hbm>> -> memref<1x16x128xf32, #tpu.memory_space<hbm>>
        %dma_start3A_58 = tpu.memref_squeeze %dma_start3A_57 : memref<1x16x128xf32, #tpu.memory_space<hbm>> -> memref<16x128xf32, #tpu.memory_space<hbm>>
        %dma_start3A_59 = arith.constant 9984 : i32
        %dma_start3A_60 = arith.constant 0 : i32
        %dma_start3A_61 = tpu.memref_slice %arg12[%dma_start3A_59, %dma_start3A_60] : memref<10000x128xf32, #tpu.memory_space<vmem_shared>> -> memref<16x128xf32, #tpu.memory_space<vmem_shared>>
        tpu.enqueue_dma source(%dma_start3A_61 : memref<16x128xf32, #tpu.memory_space<vmem_shared>>) target(%dma_start3A_58 : memref<16x128xf32, #tpu.memory_space<hbm>>) target_semaphore(%run_scoped3A : memref<!tpu.dma_semaphore, #tpu.memory_space<semaphore_mem>>)
        %dma_wait3A_62 = arith.constant 9984 : i32
        %dma_wait3A_63 = arith.constant 0 : i32
        %dma_wait3A_64 = tpu.memref_slice %arg5[%arg0, %dma_wait3A_62, %dma_wait3A_63] : memref<2x10000x128xf32, #tpu.memory_space<hbm>> -> memref<1x16x128xf32, #tpu.memory_space<hbm>>
        %dma_wait3A_65 = tpu.memref_squeeze %dma_wait3A_64 : memref<1x16x128xf32, #tpu.memory_space<hbm>> -> memref<16x128xf32, #tpu.memory_space<hbm>>
        %dma_wait3A_66 = arith.constant 9984 : i32
        %dma_wait3A_67 = arith.constant 0 : i32
        %dma_wait3A_68 = tpu.memref_slice %arg12[%dma_wait3A_66, %dma_wait3A_67] : memref<10000x128xf32, #tpu.memory_space<vmem_shared>> -> memref<16x128xf32, #tpu.memory_space<vmem_shared>>
        tpu.wait_dma2 semaphore(%run_scoped3A : memref<!tpu.dma_semaphore, #tpu.memory_space<semaphore_mem>>) src(%dma_wait3A_68 : memref<16x128xf32, #tpu.memory_space<vmem_shared>>) dst(%dma_wait3A_65 : memref<16x128xf32, #tpu.memory_space<hbm>>)
        tpu.yield
      }) : () -> ()
    } else {
    }
    return
  }
}

#map = affine_map<(d0, d1) -> (0, 0)>
#map1 = affine_map<(d0, d1) -> (0)>
#map2 = affine_map<(d0, d1) -> (0, 0, 0)>
module attributes {stable_mosaic.version = 14 : i64} {
  func.func @_agg_body(%arg0: i32, %arg1: i32, %arg2: memref<20000x128xf32, #tpu.memory_space<hbm>>, %arg3: memref<640000xi32, #tpu.memory_space<hbm>>, %arg4: memref<640000xi32, #tpu.memory_space<hbm>>, %arg5: memref<2x10000x128xf32, #tpu.memory_space<hbm>>, %arg6: memref<128xi32, #tpu.memory_space<vmem>>, %arg7: memref<128xi32, #tpu.memory_space<vmem>>, %arg8: memref<128xi32, #tpu.memory_space<vmem>>, %arg9: memref<128xi32, #tpu.memory_space<vmem>>, %arg10: memref<128xi32, #tpu.memory_space<vmem>>, %arg11: memref<128xi32, #tpu.memory_space<vmem>>, %arg12: memref<128xi32, #tpu.memory_space<vmem>>, %arg13: memref<128xi32, #tpu.memory_space<vmem>>, %arg14: memref<128x128xf32, #tpu.memory_space<vmem>>, %arg15: memref<128x128xf32, #tpu.memory_space<vmem>>, %arg16: memref<32xi32, #tpu.memory_space<vmem>>, %arg17: memref<32xi32, #tpu.memory_space<vmem>>, %arg18: memref<32x128xf32, #tpu.memory_space<vmem>>, %arg19: memref<10000x128xf32, #tpu.memory_space<vmem_shared>>, %arg20: memref<!tpu.dma_semaphore, #tpu.memory_space<semaphore_mem>>, %arg21: memref<!tpu.dma_semaphore, #tpu.memory_space<semaphore_mem>>, %arg22: memref<!tpu.dma_semaphore, #tpu.memory_space<semaphore_mem>>, %arg23: memref<!tpu.dma_semaphore, #tpu.memory_space<semaphore_mem>>, %arg24: memref<!tpu.dma_semaphore, #tpu.memory_space<semaphore_mem>>, %arg25: memref<!tpu.dma_semaphore, #tpu.memory_space<semaphore_mem>>) attributes {dimension_semantics = [#tpu.dimension_semantics<core_parallel>, #tpu.dimension_semantics<subcore_parallel>], iteration_bounds = array<i64: 2, 16>, scalar_prefetch = 0 : i64, scratch_operands = 20 : i64, tpu.core_type = #tpu.core_type<sc_vector_subcore>, window_params = [{transform_indices = #map}, {transform_indices = #map1}, {transform_indices = #map1}, {transform_indices = #map2}]} {
    %mul3A = arith.constant 10000 : i32
    %mul3A_0 = arith.muli %arg0, %mul3A : i32
    %mul3A_1 = arith.constant 624 : i32
    %mul3A_2 = arith.muli %arg1, %mul3A_1 : i32
    %add3A = arith.addi %mul3A_0, %mul3A_2 : i32
    %mul3A_3 = arith.constant 624 : i32
    %mul3A_4 = arith.muli %arg1, %mul3A_3 : i32
    "tpu.region"() ({
      %run_scoped3A = tpu.sem_alloc : memref<!tpu.dma_semaphore, #tpu.memory_space<semaphore_mem>>
      %dma_start3A_134 = arith.constant 0 : i32
      %dma_start3A_135 = tpu.memref_slice %arg19[%mul3A_4, %dma_start3A_134] : memref<10000x128xf32, #tpu.memory_space<vmem_shared>> -> memref<624x128xf32, #tpu.memory_space<vmem_shared>>
      %dma_start3A_136 = arith.constant 0 : i32
      %dma_start3A_137 = tpu.memref_slice %arg2[%add3A, %dma_start3A_136] : memref<20000x128xf32, #tpu.memory_space<hbm>> -> memref<624x128xf32, #tpu.memory_space<hbm>>
      tpu.enqueue_dma source(%dma_start3A_137 : memref<624x128xf32, #tpu.memory_space<hbm>>) target(%dma_start3A_135 : memref<624x128xf32, #tpu.memory_space<vmem_shared>>) target_semaphore(%run_scoped3A : memref<!tpu.dma_semaphore, #tpu.memory_space<semaphore_mem>>)
      %dma_wait3A_138 = arith.constant 0 : i32
      %dma_wait3A_139 = tpu.memref_slice %arg19[%mul3A_4, %dma_wait3A_138] : memref<10000x128xf32, #tpu.memory_space<vmem_shared>> -> memref<624x128xf32, #tpu.memory_space<vmem_shared>>
      %dma_wait3A_140 = arith.constant 0 : i32
      %dma_wait3A_141 = tpu.memref_slice %arg2[%add3A, %dma_wait3A_140] : memref<20000x128xf32, #tpu.memory_space<hbm>> -> memref<624x128xf32, #tpu.memory_space<hbm>>
      tpu.wait_dma2 semaphore(%run_scoped3A : memref<!tpu.dma_semaphore, #tpu.memory_space<semaphore_mem>>) src(%dma_wait3A_141 : memref<624x128xf32, #tpu.memory_space<hbm>>) dst(%dma_wait3A_139 : memref<624x128xf32, #tpu.memory_space<vmem_shared>>)
      tpu.yield
    }) : () -> ()
    %eq3A = arith.constant 15 : i32
    %eq3A_5 = arith.cmpi eq, %arg1, %eq3A : i32
    %convert_element_type3A = arith.extui %eq3A_5 : i1 to i32
    %cond3A = arith.constant 0 : i32
    %cond3A_6 = arith.cmpi ne, %convert_element_type3A, %cond3A : i32
    scf.if %cond3A_6 {
      %mul3A_134 = arith.constant 10000 : i32
      %mul3A_135 = arith.muli %arg0, %mul3A_134 : i32
      %add3A_136 = arith.constant 9984 : i32
      %add3A_137 = arith.addi %mul3A_135, %add3A_136 : i32
      "tpu.region"() ({
        %run_scoped3A = tpu.sem_alloc : memref<!tpu.dma_semaphore, #tpu.memory_space<semaphore_mem>>
        %dma_start3A_138 = arith.constant 9984 : i32
        %dma_start3A_139 = arith.constant 0 : i32
        %dma_start3A_140 = tpu.memref_slice %arg19[%dma_start3A_138, %dma_start3A_139] : memref<10000x128xf32, #tpu.memory_space<vmem_shared>> -> memref<16x128xf32, #tpu.memory_space<vmem_shared>>
        %dma_start3A_141 = arith.constant 0 : i32
        %dma_start3A_142 = tpu.memref_slice %arg2[%add3A_137, %dma_start3A_141] : memref<20000x128xf32, #tpu.memory_space<hbm>> -> memref<16x128xf32, #tpu.memory_space<hbm>>
        tpu.enqueue_dma source(%dma_start3A_142 : memref<16x128xf32, #tpu.memory_space<hbm>>) target(%dma_start3A_140 : memref<16x128xf32, #tpu.memory_space<vmem_shared>>) target_semaphore(%run_scoped3A : memref<!tpu.dma_semaphore, #tpu.memory_space<semaphore_mem>>)
        %dma_wait3A_143 = arith.constant 9984 : i32
        %dma_wait3A_144 = arith.constant 0 : i32
        %dma_wait3A_145 = tpu.memref_slice %arg19[%dma_wait3A_143, %dma_wait3A_144] : memref<10000x128xf32, #tpu.memory_space<vmem_shared>> -> memref<16x128xf32, #tpu.memory_space<vmem_shared>>
        %dma_wait3A_146 = arith.constant 0 : i32
        %dma_wait3A_147 = tpu.memref_slice %arg2[%add3A_137, %dma_wait3A_146] : memref<20000x128xf32, #tpu.memory_space<hbm>> -> memref<16x128xf32, #tpu.memory_space<hbm>>
        tpu.wait_dma2 semaphore(%run_scoped3A : memref<!tpu.dma_semaphore, #tpu.memory_space<semaphore_mem>>) src(%dma_wait3A_147 : memref<16x128xf32, #tpu.memory_space<hbm>>) dst(%dma_wait3A_145 : memref<16x128xf32, #tpu.memory_space<vmem_shared>>)
        tpu.yield
      }) : () -> ()
    } else {
    }
    %barrier3A = arith.constant 0 : index
    tpu.barrier barrier_id(%barrier3A)
    %mul3A_7 = arith.constant 320000 : i32
    %mul3A_8 = arith.muli %arg0, %mul3A_7 : i32
    %mul3A_9 = arith.constant 20000 : i32
    %mul3A_10 = arith.muli %arg1, %mul3A_9 : i32
    %add3A_11 = arith.addi %mul3A_8, %mul3A_10 : i32
    %add3A_12 = arith.constant 0 : i32
    %add3A_13 = arith.addi %add3A_11, %add3A_12 : i32
    %dma_start3A = tpu.memref_slice %arg3[%add3A_13] : memref<640000xi32, #tpu.memory_space<hbm>> -> memref<128xi32, #tpu.memory_space<hbm>>
    %dma_start3A_14 = tpu.memref_slice %arg3[%add3A_13] : memref<640000xi32, #tpu.memory_space<hbm>> -> memref<128xi32, #tpu.memory_space<hbm>>
    tpu.enqueue_dma source(%dma_start3A_14 : memref<128xi32, #tpu.memory_space<hbm>>) target(%arg6 : memref<128xi32, #tpu.memory_space<vmem>>) target_semaphore(%arg20 : memref<!tpu.dma_semaphore, #tpu.memory_space<semaphore_mem>>)
    %add3A_15 = arith.constant 0 : i32
    %add3A_16 = arith.addi %add3A_11, %add3A_15 : i32
    %dma_start3A_17 = tpu.memref_slice %arg4[%add3A_16] : memref<640000xi32, #tpu.memory_space<hbm>> -> memref<128xi32, #tpu.memory_space<hbm>>
    %dma_start3A_18 = tpu.memref_slice %arg4[%add3A_16] : memref<640000xi32, #tpu.memory_space<hbm>> -> memref<128xi32, #tpu.memory_space<hbm>>
    tpu.enqueue_dma source(%dma_start3A_18 : memref<128xi32, #tpu.memory_space<hbm>>) target(%arg10 : memref<128xi32, #tpu.memory_space<vmem>>) target_semaphore(%arg20 : memref<!tpu.dma_semaphore, #tpu.memory_space<semaphore_mem>>)
    %add3A_19 = arith.constant 128 : i32
    %add3A_20 = arith.addi %add3A_11, %add3A_19 : i32
    %dma_start3A_21 = tpu.memref_slice %arg3[%add3A_20] : memref<640000xi32, #tpu.memory_space<hbm>> -> memref<128xi32, #tpu.memory_space<hbm>>
    %dma_start3A_22 = tpu.memref_slice %arg3[%add3A_20] : memref<640000xi32, #tpu.memory_space<hbm>> -> memref<128xi32, #tpu.memory_space<hbm>>
    tpu.enqueue_dma source(%dma_start3A_22 : memref<128xi32, #tpu.memory_space<hbm>>) target(%arg7 : memref<128xi32, #tpu.memory_space<vmem>>) target_semaphore(%arg21 : memref<!tpu.dma_semaphore, #tpu.memory_space<semaphore_mem>>)
    %add3A_23 = arith.constant 128 : i32
    %add3A_24 = arith.addi %add3A_11, %add3A_23 : i32
    %dma_start3A_25 = tpu.memref_slice %arg4[%add3A_24] : memref<640000xi32, #tpu.memory_space<hbm>> -> memref<128xi32, #tpu.memory_space<hbm>>
    %dma_start3A_26 = tpu.memref_slice %arg4[%add3A_24] : memref<640000xi32, #tpu.memory_space<hbm>> -> memref<128xi32, #tpu.memory_space<hbm>>
    tpu.enqueue_dma source(%dma_start3A_26 : memref<128xi32, #tpu.memory_space<hbm>>) target(%arg11 : memref<128xi32, #tpu.memory_space<vmem>>) target_semaphore(%arg21 : memref<!tpu.dma_semaphore, #tpu.memory_space<semaphore_mem>>)
    %add3A_27 = arith.constant 256 : i32
    %add3A_28 = arith.addi %add3A_11, %add3A_27 : i32
    %dma_start3A_29 = tpu.memref_slice %arg3[%add3A_28] : memref<640000xi32, #tpu.memory_space<hbm>> -> memref<128xi32, #tpu.memory_space<hbm>>
    %dma_start3A_30 = tpu.memref_slice %arg3[%add3A_28] : memref<640000xi32, #tpu.memory_space<hbm>> -> memref<128xi32, #tpu.memory_space<hbm>>
    tpu.enqueue_dma source(%dma_start3A_30 : memref<128xi32, #tpu.memory_space<hbm>>) target(%arg8 : memref<128xi32, #tpu.memory_space<vmem>>) target_semaphore(%arg22 : memref<!tpu.dma_semaphore, #tpu.memory_space<semaphore_mem>>)
    %add3A_31 = arith.constant 256 : i32
    %add3A_32 = arith.addi %add3A_11, %add3A_31 : i32
    %dma_start3A_33 = tpu.memref_slice %arg4[%add3A_32] : memref<640000xi32, #tpu.memory_space<hbm>> -> memref<128xi32, #tpu.memory_space<hbm>>
    %dma_start3A_34 = tpu.memref_slice %arg4[%add3A_32] : memref<640000xi32, #tpu.memory_space<hbm>> -> memref<128xi32, #tpu.memory_space<hbm>>
    tpu.enqueue_dma source(%dma_start3A_34 : memref<128xi32, #tpu.memory_space<hbm>>) target(%arg12 : memref<128xi32, #tpu.memory_space<vmem>>) target_semaphore(%arg22 : memref<!tpu.dma_semaphore, #tpu.memory_space<semaphore_mem>>)
    %add3A_35 = arith.constant 384 : i32
    %add3A_36 = arith.addi %add3A_11, %add3A_35 : i32
    %dma_start3A_37 = tpu.memref_slice %arg3[%add3A_36] : memref<640000xi32, #tpu.memory_space<hbm>> -> memref<128xi32, #tpu.memory_space<hbm>>
    %dma_start3A_38 = tpu.memref_slice %arg3[%add3A_36] : memref<640000xi32, #tpu.memory_space<hbm>> -> memref<128xi32, #tpu.memory_space<hbm>>
    tpu.enqueue_dma source(%dma_start3A_38 : memref<128xi32, #tpu.memory_space<hbm>>) target(%arg9 : memref<128xi32, #tpu.memory_space<vmem>>) target_semaphore(%arg23 : memref<!tpu.dma_semaphore, #tpu.memory_space<semaphore_mem>>)
    %add3A_39 = arith.constant 384 : i32
    %add3A_40 = arith.addi %add3A_11, %add3A_39 : i32
    %dma_start3A_41 = tpu.memref_slice %arg4[%add3A_40] : memref<640000xi32, #tpu.memory_space<hbm>> -> memref<128xi32, #tpu.memory_space<hbm>>
    %dma_start3A_42 = tpu.memref_slice %arg4[%add3A_40] : memref<640000xi32, #tpu.memory_space<hbm>> -> memref<128xi32, #tpu.memory_space<hbm>>
    tpu.enqueue_dma source(%dma_start3A_42 : memref<128xi32, #tpu.memory_space<hbm>>) target(%arg13 : memref<128xi32, #tpu.memory_space<vmem>>) target_semaphore(%arg23 : memref<!tpu.dma_semaphore, #tpu.memory_space<semaphore_mem>>)
    %dma_wait3A = arith.constant 0 : i32
    %dma_wait3A_43 = tpu.memref_slice %arg3[%dma_wait3A] : memref<640000xi32, #tpu.memory_space<hbm>> -> memref<128xi32, #tpu.memory_space<hbm>>
    %dma_wait3A_44 = arith.constant 0 : i32
    %dma_wait3A_45 = tpu.memref_slice %arg3[%dma_wait3A_44] : memref<640000xi32, #tpu.memory_space<hbm>> -> memref<128xi32, #tpu.memory_space<hbm>>
    tpu.wait_dma2 semaphore(%arg20 : memref<!tpu.dma_semaphore, #tpu.memory_space<semaphore_mem>>) src(%dma_wait3A_45 : memref<128xi32, #tpu.memory_space<hbm>>) dst(%arg6 : memref<128xi32, #tpu.memory_space<vmem>>)
    %dma_wait3A_46 = arith.constant 0 : i32
    %dma_wait3A_47 = tpu.memref_slice %arg3[%dma_wait3A_46] : memref<640000xi32, #tpu.memory_space<hbm>> -> memref<128xi32, #tpu.memory_space<hbm>>
    %dma_wait3A_48 = arith.constant 0 : i32
    %dma_wait3A_49 = tpu.memref_slice %arg3[%dma_wait3A_48] : memref<640000xi32, #tpu.memory_space<hbm>> -> memref<128xi32, #tpu.memory_space<hbm>>
    tpu.wait_dma2 semaphore(%arg20 : memref<!tpu.dma_semaphore, #tpu.memory_space<semaphore_mem>>) src(%dma_wait3A_49 : memref<128xi32, #tpu.memory_space<hbm>>) dst(%arg10 : memref<128xi32, #tpu.memory_space<vmem>>)
    %dma_start3A_50 = arith.constant 0 : i32
    %dma_start3A_51 = arith.constant 0 : i32
    %dma_start3A_52 = tpu.memref_slice %arg2[%dma_start3A_50, %dma_start3A_51] : memref<20000x128xf32, #tpu.memory_space<hbm>> -> memref<20000x128xf32, #tpu.memory_space<hbm>>
    tpu.enqueue_indirect_dma source(%dma_start3A_52 : memref<20000x128xf32, #tpu.memory_space<hbm>>) target(%arg14 : memref<128x128xf32, #tpu.memory_space<vmem>>) offsets(%arg6 : memref<128xi32, #tpu.memory_space<vmem>>) semaphore(%arg24 : memref<!tpu.dma_semaphore, #tpu.memory_space<semaphore_mem>>)
    %scan3A = arith.constant 0 : i32
    %scan3A_53 = arith.constant 38 : i32
    %scan3A_54 = arith.addi %scan3A, %scan3A_53 : i32
    %scan3A_55 = arith.constant 1 : i32
    scf.for %scan3A_134 = %scan3A to %scan3A_54 step %scan3A_55  : i32 {
      %mul3A_135 = arith.constant 1 : i32
      %mul3A_136 = arith.muli %scan3A_134, %mul3A_135 : i32
      %add3A_137 = arith.constant 0 : i32
      %add3A_138 = arith.addi %add3A_137, %mul3A_136 : i32
      %dma_wait3A_139 = arith.constant 0 : i32
      %dma_wait3A_140 = tpu.memref_slice %arg3[%dma_wait3A_139] : memref<640000xi32, #tpu.memory_space<hbm>> -> memref<128xi32, #tpu.memory_space<hbm>>
      %dma_wait3A_141 = arith.constant 0 : i32
      %dma_wait3A_142 = tpu.memref_slice %arg3[%dma_wait3A_141] : memref<640000xi32, #tpu.memory_space<hbm>> -> memref<128xi32, #tpu.memory_space<hbm>>
      tpu.wait_dma2 semaphore(%arg21 : memref<!tpu.dma_semaphore, #tpu.memory_space<semaphore_mem>>) src(%dma_wait3A_142 : memref<128xi32, #tpu.memory_space<hbm>>) dst(%arg7 : memref<128xi32, #tpu.memory_space<vmem>>)
      %dma_wait3A_143 = arith.constant 0 : i32
      %dma_wait3A_144 = tpu.memref_slice %arg3[%dma_wait3A_143] : memref<640000xi32, #tpu.memory_space<hbm>> -> memref<128xi32, #tpu.memory_space<hbm>>
      %dma_wait3A_145 = arith.constant 0 : i32
      %dma_wait3A_146 = tpu.memref_slice %arg3[%dma_wait3A_145] : memref<640000xi32, #tpu.memory_space<hbm>> -> memref<128xi32, #tpu.memory_space<hbm>>
      tpu.wait_dma2 semaphore(%arg21 : memref<!tpu.dma_semaphore, #tpu.memory_space<semaphore_mem>>) src(%dma_wait3A_146 : memref<128xi32, #tpu.memory_space<hbm>>) dst(%arg11 : memref<128xi32, #tpu.memory_space<vmem>>)
      %dma_start3A_147 = arith.constant 0 : i32
      %dma_start3A_148 = arith.constant 0 : i32
      %dma_start3A_149 = tpu.memref_slice %arg2[%dma_start3A_147, %dma_start3A_148] : memref<20000x128xf32, #tpu.memory_space<hbm>> -> memref<20000x128xf32, #tpu.memory_space<hbm>>
      tpu.enqueue_indirect_dma source(%dma_start3A_149 : memref<20000x128xf32, #tpu.memory_space<hbm>>) target(%arg15 : memref<128x128xf32, #tpu.memory_space<vmem>>) offsets(%arg7 : memref<128xi32, #tpu.memory_space<vmem>>) semaphore(%arg25 : memref<!tpu.dma_semaphore, #tpu.memory_space<semaphore_mem>>)
      %dma_wait3A_150 = arith.constant 0 : i32
      %dma_wait3A_151 = arith.constant 0 : i32
      %dma_wait3A_152 = tpu.memref_slice %arg2[%dma_wait3A_150, %dma_wait3A_151] : memref<20000x128xf32, #tpu.memory_space<hbm>> -> memref<128x128xf32, #tpu.memory_space<hbm>>
      %dma_wait3A_153 = arith.constant 0 : i32
      %dma_wait3A_154 = arith.constant 0 : i32
      %dma_wait3A_155 = tpu.memref_slice %arg2[%dma_wait3A_153, %dma_wait3A_154] : memref<20000x128xf32, #tpu.memory_space<hbm>> -> memref<128x128xf32, #tpu.memory_space<hbm>>
      tpu.wait_dma2 semaphore(%arg24 : memref<!tpu.dma_semaphore, #tpu.memory_space<semaphore_mem>>) src(%dma_wait3A_155 : memref<128x128xf32, #tpu.memory_space<hbm>>) dst(%arg14 : memref<128x128xf32, #tpu.memory_space<vmem>>)
      "tpu.region"() ({
        %run_scoped3A = tpu.sem_alloc : memref<!tpu.dma_semaphore, #tpu.memory_space<semaphore_mem>>
        %dma_start3A_271 = arith.constant 0 : i32
        %dma_start3A_272 = arith.constant 0 : i32
        %dma_start3A_273 = tpu.memref_slice %arg19[%dma_start3A_271, %dma_start3A_272] : memref<10000x128xf32, #tpu.memory_space<vmem_shared>> -> memref<10000x128xf32, #tpu.memory_space<vmem_shared>>
        tpu.enqueue_indirect_dma source(%arg14 : memref<128x128xf32, #tpu.memory_space<vmem>>) target(%dma_start3A_273 : memref<10000x128xf32, #tpu.memory_space<vmem_shared>>) offsets(%arg10 : memref<128xi32, #tpu.memory_space<vmem>>) semaphore(%run_scoped3A : memref<!tpu.dma_semaphore, #tpu.memory_space<semaphore_mem>>) {add = true}
        %dma_wait3A_274 = arith.constant 0 : i32
        %dma_wait3A_275 = arith.constant 0 : i32
        %dma_wait3A_276 = tpu.memref_slice %arg19[%dma_wait3A_274, %dma_wait3A_275] : memref<10000x128xf32, #tpu.memory_space<vmem_shared>> -> memref<10000x128xf32, #tpu.memory_space<vmem_shared>>
        tpu.wait_indirect_dma semaphore(%run_scoped3A : memref<!tpu.dma_semaphore, #tpu.memory_space<semaphore_mem>>) src(%arg14 : memref<128x128xf32, #tpu.memory_space<vmem>>) dst(%dma_wait3A_276 : memref<10000x128xf32, #tpu.memory_space<vmem_shared>>)
        tpu.yield
      }) : () -> ()
      %mul3A_156 = arith.constant 4 : i32
      %mul3A_157 = arith.muli %mul3A_156, %add3A_138 : i32
      %add3A_158 = arith.constant 0 : i32
      %add3A_159 = arith.addi %mul3A_157, %add3A_158 : i32
      %add3A_160 = arith.constant 4 : i32
      %add3A_161 = arith.addi %add3A_159, %add3A_160 : i32
      %mul3A_162 = arith.constant 128 : i32
      %mul3A_163 = arith.muli %add3A_161, %mul3A_162 : i32
      %add3A_164 = arith.addi %add3A_11, %mul3A_163 : i32
      %dma_start3A_165 = tpu.memref_slice %arg3[%add3A_164] : memref<640000xi32, #tpu.memory_space<hbm>> -> memref<128xi32, #tpu.memory_space<hbm>>
      %dma_start3A_166 = tpu.memref_slice %arg3[%add3A_164] : memref<640000xi32, #tpu.memory_space<hbm>> -> memref<128xi32, #tpu.memory_space<hbm>>
      tpu.enqueue_dma source(%dma_start3A_166 : memref<128xi32, #tpu.memory_space<hbm>>) target(%arg6 : memref<128xi32, #tpu.memory_space<vmem>>) target_semaphore(%arg20 : memref<!tpu.dma_semaphore, #tpu.memory_space<semaphore_mem>>)
      %mul3A_167 = arith.constant 128 : i32
      %mul3A_168 = arith.muli %add3A_161, %mul3A_167 : i32
      %add3A_169 = arith.addi %add3A_11, %mul3A_168 : i32
      %dma_start3A_170 = tpu.memref_slice %arg4[%add3A_169] : memref<640000xi32, #tpu.memory_space<hbm>> -> memref<128xi32, #tpu.memory_space<hbm>>
      %dma_start3A_171 = tpu.memref_slice %arg4[%add3A_169] : memref<640000xi32, #tpu.memory_space<hbm>> -> memref<128xi32, #tpu.memory_space<hbm>>
      tpu.enqueue_dma source(%dma_start3A_171 : memref<128xi32, #tpu.memory_space<hbm>>) target(%arg10 : memref<128xi32, #tpu.memory_space<vmem>>) target_semaphore(%arg20 : memref<!tpu.dma_semaphore, #tpu.memory_space<semaphore_mem>>)
      %dma_wait3A_172 = arith.constant 0 : i32
      %dma_wait3A_173 = tpu.memref_slice %arg3[%dma_wait3A_172] : memref<640000xi32, #tpu.memory_space<hbm>> -> memref<128xi32, #tpu.memory_space<hbm>>
      %dma_wait3A_174 = arith.constant 0 : i32
      %dma_wait3A_175 = tpu.memref_slice %arg3[%dma_wait3A_174] : memref<640000xi32, #tpu.memory_space<hbm>> -> memref<128xi32, #tpu.memory_space<hbm>>
      tpu.wait_dma2 semaphore(%arg22 : memref<!tpu.dma_semaphore, #tpu.memory_space<semaphore_mem>>) src(%dma_wait3A_175 : memref<128xi32, #tpu.memory_space<hbm>>) dst(%arg8 : memref<128xi32, #tpu.memory_space<vmem>>)
      %dma_wait3A_176 = arith.constant 0 : i32
      %dma_wait3A_177 = tpu.memref_slice %arg3[%dma_wait3A_176] : memref<640000xi32, #tpu.memory_space<hbm>> -> memref<128xi32, #tpu.memory_space<hbm>>
      %dma_wait3A_178 = arith.constant 0 : i32
      %dma_wait3A_179 = tpu.memref_slice %arg3[%dma_wait3A_178] : memref<640000xi32, #tpu.memory_space<hbm>> -> memref<128xi32, #tpu.memory_space<hbm>>
      tpu.wait_dma2 semaphore(%arg22 : memref<!tpu.dma_semaphore, #tpu.memory_space<semaphore_mem>>) src(%dma_wait3A_179 : memref<128xi32, #tpu.memory_space<hbm>>) dst(%arg12 : memref<128xi32, #tpu.memory_space<vmem>>)
      %dma_start3A_180 = arith.constant 0 : i32
      %dma_start3A_181 = arith.constant 0 : i32
      %dma_start3A_182 = tpu.memref_slice %arg2[%dma_start3A_180, %dma_start3A_181] : memref<20000x128xf32, #tpu.memory_space<hbm>> -> memref<20000x128xf32, #tpu.memory_space<hbm>>
      tpu.enqueue_indirect_dma source(%dma_start3A_182 : memref<20000x128xf32, #tpu.memory_space<hbm>>) target(%arg14 : memref<128x128xf32, #tpu.memory_space<vmem>>) offsets(%arg8 : memref<128xi32, #tpu.memory_space<vmem>>) semaphore(%arg24 : memref<!tpu.dma_semaphore, #tpu.memory_space<semaphore_mem>>)
      %dma_wait3A_183 = arith.constant 0 : i32
      %dma_wait3A_184 = arith.constant 0 : i32
      %dma_wait3A_185 = tpu.memref_slice %arg2[%dma_wait3A_183, %dma_wait3A_184] : memref<20000x128xf32, #tpu.memory_space<hbm>> -> memref<128x128xf32, #tpu.memory_space<hbm>>
      %dma_wait3A_186 = arith.constant 0 : i32
      %dma_wait3A_187 = arith.constant 0 : i32
      %dma_wait3A_188 = tpu.memref_slice %arg2[%dma_wait3A_186, %dma_wait3A_187] : memref<20000x128xf32, #tpu.memory_space<hbm>> -> memref<128x128xf32, #tpu.memory_space<hbm>>
      tpu.wait_dma2 semaphore(%arg25 : memref<!tpu.dma_semaphore, #tpu.memory_space<semaphore_mem>>) src(%dma_wait3A_188 : memref<128x128xf32, #tpu.memory_space<hbm>>) dst(%arg15 : memref<128x128xf32, #tpu.memory_space<vmem>>)
      "tpu.region"() ({
        %run_scoped3A = tpu.sem_alloc : memref<!tpu.dma_semaphore, #tpu.memory_space<semaphore_mem>>
        %dma_start3A_271 = arith.constant 0 : i32
        %dma_start3A_272 = arith.constant 0 : i32
        %dma_start3A_273 = tpu.memref_slice %arg19[%dma_start3A_271, %dma_start3A_272] : memref<10000x128xf32, #tpu.memory_space<vmem_shared>> -> memref<10000x128xf32, #tpu.memory_space<vmem_shared>>
        tpu.enqueue_indirect_dma source(%arg15 : memref<128x128xf32, #tpu.memory_space<vmem>>) target(%dma_start3A_273 : memref<10000x128xf32, #tpu.memory_space<vmem_shared>>) offsets(%arg11 : memref<128xi32, #tpu.memory_space<vmem>>) semaphore(%run_scoped3A : memref<!tpu.dma_semaphore, #tpu.memory_space<semaphore_mem>>) {add = true}
        %dma_wait3A_274 = arith.constant 0 : i32
        %dma_wait3A_275 = arith.constant 0 : i32
        %dma_wait3A_276 = tpu.memref_slice %arg19[%dma_wait3A_274, %dma_wait3A_275] : memref<10000x128xf32, #tpu.memory_space<vmem_shared>> -> memref<10000x128xf32, #tpu.memory_space<vmem_shared>>
        tpu.wait_indirect_dma semaphore(%run_scoped3A : memref<!tpu.dma_semaphore, #tpu.memory_space<semaphore_mem>>) src(%arg15 : memref<128x128xf32, #tpu.memory_space<vmem>>) dst(%dma_wait3A_276 : memref<10000x128xf32, #tpu.memory_space<vmem_shared>>)
        tpu.yield
      }) : () -> ()
      %mul3A_189 = arith.constant 4 : i32
      %mul3A_190 = arith.muli %mul3A_189, %add3A_138 : i32
      %add3A_191 = arith.constant 1 : i32
      %add3A_192 = arith.addi %mul3A_190, %add3A_191 : i32
      %add3A_193 = arith.constant 4 : i32
      %add3A_194 = arith.addi %add3A_192, %add3A_193 : i32
      %mul3A_195 = arith.constant 128 : i32
      %mul3A_196 = arith.muli %add3A_194, %mul3A_195 : i32
      %add3A_197 = arith.addi %add3A_11, %mul3A_196 : i32
      %dma_start3A_198 = tpu.memref_slice %arg3[%add3A_197] : memref<640000xi32, #tpu.memory_space<hbm>> -> memref<128xi32, #tpu.memory_space<hbm>>
      %dma_start3A_199 = tpu.memref_slice %arg3[%add3A_197] : memref<640000xi32, #tpu.memory_space<hbm>> -> memref<128xi32, #tpu.memory_space<hbm>>
      tpu.enqueue_dma source(%dma_start3A_199 : memref<128xi32, #tpu.memory_space<hbm>>) target(%arg7 : memref<128xi32, #tpu.memory_space<vmem>>) target_semaphore(%arg21 : memref<!tpu.dma_semaphore, #tpu.memory_space<semaphore_mem>>)
      %mul3A_200 = arith.constant 128 : i32
      %mul3A_201 = arith.muli %add3A_194, %mul3A_200 : i32
      %add3A_202 = arith.addi %add3A_11, %mul3A_201 : i32
      %dma_start3A_203 = tpu.memref_slice %arg4[%add3A_202] : memref<640000xi32, #tpu.memory_space<hbm>> -> memref<128xi32, #tpu.memory_space<hbm>>
      %dma_start3A_204 = tpu.memref_slice %arg4[%add3A_202] : memref<640000xi32, #tpu.memory_space<hbm>> -> memref<128xi32, #tpu.memory_space<hbm>>
      tpu.enqueue_dma source(%dma_start3A_204 : memref<128xi32, #tpu.memory_space<hbm>>) target(%arg11 : memref<128xi32, #tpu.memory_space<vmem>>) target_semaphore(%arg21 : memref<!tpu.dma_semaphore, #tpu.memory_space<semaphore_mem>>)
      %dma_wait3A_205 = arith.constant 0 : i32
      %dma_wait3A_206 = tpu.memref_slice %arg3[%dma_wait3A_205] : memref<640000xi32, #tpu.memory_space<hbm>> -> memref<128xi32, #tpu.memory_space<hbm>>
      %dma_wait3A_207 = arith.constant 0 : i32
      %dma_wait3A_208 = tpu.memref_slice %arg3[%dma_wait3A_207] : memref<640000xi32, #tpu.memory_space<hbm>> -> memref<128xi32, #tpu.memory_space<hbm>>
      tpu.wait_dma2 semaphore(%arg23 : memref<!tpu.dma_semaphore, #tpu.memory_space<semaphore_mem>>) src(%dma_wait3A_208 : memref<128xi32, #tpu.memory_space<hbm>>) dst(%arg9 : memref<128xi32, #tpu.memory_space<vmem>>)
      %dma_wait3A_209 = arith.constant 0 : i32
      %dma_wait3A_210 = tpu.memref_slice %arg3[%dma_wait3A_209] : memref<640000xi32, #tpu.memory_space<hbm>> -> memref<128xi32, #tpu.memory_space<hbm>>
      %dma_wait3A_211 = arith.constant 0 : i32
      %dma_wait3A_212 = tpu.memref_slice %arg3[%dma_wait3A_211] : memref<640000xi32, #tpu.memory_space<hbm>> -> memref<128xi32, #tpu.memory_space<hbm>>
      tpu.wait_dma2 semaphore(%arg23 : memref<!tpu.dma_semaphore, #tpu.memory_space<semaphore_mem>>) src(%dma_wait3A_212 : memref<128xi32, #tpu.memory_space<hbm>>) dst(%arg13 : memref<128xi32, #tpu.memory_space<vmem>>)
      %dma_start3A_213 = arith.constant 0 : i32
      %dma_start3A_214 = arith.constant 0 : i32
      %dma_start3A_215 = tpu.memref_slice %arg2[%dma_start3A_213, %dma_start3A_214] : memref<20000x128xf32, #tpu.memory_space<hbm>> -> memref<20000x128xf32, #tpu.memory_space<hbm>>
      tpu.enqueue_indirect_dma source(%dma_start3A_215 : memref<20000x128xf32, #tpu.memory_space<hbm>>) target(%arg15 : memref<128x128xf32, #tpu.memory_space<vmem>>) offsets(%arg9 : memref<128xi32, #tpu.memory_space<vmem>>) semaphore(%arg25 : memref<!tpu.dma_semaphore, #tpu.memory_space<semaphore_mem>>)
      %dma_wait3A_216 = arith.constant 0 : i32
      %dma_wait3A_217 = arith.constant 0 : i32
      %dma_wait3A_218 = tpu.memref_slice %arg2[%dma_wait3A_216, %dma_wait3A_217] : memref<20000x128xf32, #tpu.memory_space<hbm>> -> memref<128x128xf32, #tpu.memory_space<hbm>>
      %dma_wait3A_219 = arith.constant 0 : i32
      %dma_wait3A_220 = arith.constant 0 : i32
      %dma_wait3A_221 = tpu.memref_slice %arg2[%dma_wait3A_219, %dma_wait3A_220] : memref<20000x128xf32, #tpu.memory_space<hbm>> -> memref<128x128xf32, #tpu.memory_space<hbm>>
      tpu.wait_dma2 semaphore(%arg24 : memref<!tpu.dma_semaphore, #tpu.memory_space<semaphore_mem>>) src(%dma_wait3A_221 : memref<128x128xf32, #tpu.memory_space<hbm>>) dst(%arg14 : memref<128x128xf32, #tpu.memory_space<vmem>>)
      "tpu.region"() ({
        %run_scoped3A = tpu.sem_alloc : memref<!tpu.dma_semaphore, #tpu.memory_space<semaphore_mem>>
        %dma_start3A_271 = arith.constant 0 : i32
        %dma_start3A_272 = arith.constant 0 : i32
        %dma_start3A_273 = tpu.memref_slice %arg19[%dma_start3A_271, %dma_start3A_272] : memref<10000x128xf32, #tpu.memory_space<vmem_shared>> -> memref<10000x128xf32, #tpu.memory_space<vmem_shared>>
        tpu.enqueue_indirect_dma source(%arg14 : memref<128x128xf32, #tpu.memory_space<vmem>>) target(%dma_start3A_273 : memref<10000x128xf32, #tpu.memory_space<vmem_shared>>) offsets(%arg12 : memref<128xi32, #tpu.memory_space<vmem>>) semaphore(%run_scoped3A : memref<!tpu.dma_semaphore, #tpu.memory_space<semaphore_mem>>) {add = true}
        %dma_wait3A_274 = arith.constant 0 : i32
        %dma_wait3A_275 = arith.constant 0 : i32
        %dma_wait3A_276 = tpu.memref_slice %arg19[%dma_wait3A_274, %dma_wait3A_275] : memref<10000x128xf32, #tpu.memory_space<vmem_shared>> -> memref<10000x128xf32, #tpu.memory_space<vmem_shared>>
        tpu.wait_indirect_dma semaphore(%run_scoped3A : memref<!tpu.dma_semaphore, #tpu.memory_space<semaphore_mem>>) src(%arg14 : memref<128x128xf32, #tpu.memory_space<vmem>>) dst(%dma_wait3A_276 : memref<10000x128xf32, #tpu.memory_space<vmem_shared>>)
        tpu.yield
      }) : () -> ()
      %mul3A_222 = arith.constant 4 : i32
      %mul3A_223 = arith.muli %mul3A_222, %add3A_138 : i32
      %add3A_224 = arith.constant 2 : i32
      %add3A_225 = arith.addi %mul3A_223, %add3A_224 : i32
      %add3A_226 = arith.constant 4 : i32
      %add3A_227 = arith.addi %add3A_225, %add3A_226 : i32
      %mul3A_228 = arith.constant 128 : i32
      %mul3A_229 = arith.muli %add3A_227, %mul3A_228 : i32
      %add3A_230 = arith.addi %add3A_11, %mul3A_229 : i32
      %dma_start3A_231 = tpu.memref_slice %arg3[%add3A_230] : memref<640000xi32, #tpu.memory_space<hbm>> -> memref<128xi32, #tpu.memory_space<hbm>>
      %dma_start3A_232 = tpu.memref_slice %arg3[%add3A_230] : memref<640000xi32, #tpu.memory_space<hbm>> -> memref<128xi32, #tpu.memory_space<hbm>>
      tpu.enqueue_dma source(%dma_start3A_232 : memref<128xi32, #tpu.memory_space<hbm>>) target(%arg8 : memref<128xi32, #tpu.memory_space<vmem>>) target_semaphore(%arg22 : memref<!tpu.dma_semaphore, #tpu.memory_space<semaphore_mem>>)
      %mul3A_233 = arith.constant 128 : i32
      %mul3A_234 = arith.muli %add3A_227, %mul3A_233 : i32
      %add3A_235 = arith.addi %add3A_11, %mul3A_234 : i32
      %dma_start3A_236 = tpu.memref_slice %arg4[%add3A_235] : memref<640000xi32, #tpu.memory_space<hbm>> -> memref<128xi32, #tpu.memory_space<hbm>>
      %dma_start3A_237 = tpu.memref_slice %arg4[%add3A_235] : memref<640000xi32, #tpu.memory_space<hbm>> -> memref<128xi32, #tpu.memory_space<hbm>>
      tpu.enqueue_dma source(%dma_start3A_237 : memref<128xi32, #tpu.memory_space<hbm>>) target(%arg12 : memref<128xi32, #tpu.memory_space<vmem>>) target_semaphore(%arg22 : memref<!tpu.dma_semaphore, #tpu.memory_space<semaphore_mem>>)
      %dma_wait3A_238 = arith.constant 0 : i32
      %dma_wait3A_239 = tpu.memref_slice %arg3[%dma_wait3A_238] : memref<640000xi32, #tpu.memory_space<hbm>> -> memref<128xi32, #tpu.memory_space<hbm>>
      %dma_wait3A_240 = arith.constant 0 : i32
      %dma_wait3A_241 = tpu.memref_slice %arg3[%dma_wait3A_240] : memref<640000xi32, #tpu.memory_space<hbm>> -> memref<128xi32, #tpu.memory_space<hbm>>
      tpu.wait_dma2 semaphore(%arg20 : memref<!tpu.dma_semaphore, #tpu.memory_space<semaphore_mem>>) src(%dma_wait3A_241 : memref<128xi32, #tpu.memory_space<hbm>>) dst(%arg6 : memref<128xi32, #tpu.memory_space<vmem>>)
      %dma_wait3A_242 = arith.constant 0 : i32
      %dma_wait3A_243 = tpu.memref_slice %arg3[%dma_wait3A_242] : memref<640000xi32, #tpu.memory_space<hbm>> -> memref<128xi32, #tpu.memory_space<hbm>>
      %dma_wait3A_244 = arith.constant 0 : i32
      %dma_wait3A_245 = tpu.memref_slice %arg3[%dma_wait3A_244] : memref<640000xi32, #tpu.memory_space<hbm>> -> memref<128xi32, #tpu.memory_space<hbm>>
      tpu.wait_dma2 semaphore(%arg20 : memref<!tpu.dma_semaphore, #tpu.memory_space<semaphore_mem>>) src(%dma_wait3A_245 : memref<128xi32, #tpu.memory_space<hbm>>) dst(%arg10 : memref<128xi32, #tpu.memory_space<vmem>>)
      %dma_start3A_246 = arith.constant 0 : i32
      %dma_start3A_247 = arith.constant 0 : i32
      %dma_start3A_248 = tpu.memref_slice %arg2[%dma_start3A_246, %dma_start3A_247] : memref<20000x128xf32, #tpu.memory_space<hbm>> -> memref<20000x128xf32, #tpu.memory_space<hbm>>
      tpu.enqueue_indirect_dma source(%dma_start3A_248 : memref<20000x128xf32, #tpu.memory_space<hbm>>) target(%arg14 : memref<128x128xf32, #tpu.memory_space<vmem>>) offsets(%arg6 : memref<128xi32, #tpu.memory_space<vmem>>) semaphore(%arg24 : memref<!tpu.dma_semaphore, #tpu.memory_space<semaphore_mem>>)
      %dma_wait3A_249 = arith.constant 0 : i32
      %dma_wait3A_250 = arith.constant 0 : i32
      %dma_wait3A_251 = tpu.memref_slice %arg2[%dma_wait3A_249, %dma_wait3A_250] : memref<20000x128xf32, #tpu.memory_space<hbm>> -> memref<128x128xf32, #tpu.memory_space<hbm>>
      %dma_wait3A_252 = arith.constant 0 : i32
      %dma_wait3A_253 = arith.constant 0 : i32
      %dma_wait3A_254 = tpu.memref_slice %arg2[%dma_wait3A_252, %dma_wait3A_253] : memref<20000x128xf32, #tpu.memory_space<hbm>> -> memref<128x128xf32, #tpu.memory_space<hbm>>
      tpu.wait_dma2 semaphore(%arg25 : memref<!tpu.dma_semaphore, #tpu.memory_space<semaphore_mem>>) src(%dma_wait3A_254 : memref<128x128xf32, #tpu.memory_space<hbm>>) dst(%arg15 : memref<128x128xf32, #tpu.memory_space<vmem>>)
      "tpu.region"() ({
        %run_scoped3A = tpu.sem_alloc : memref<!tpu.dma_semaphore, #tpu.memory_space<semaphore_mem>>
        %dma_start3A_271 = arith.constant 0 : i32
        %dma_start3A_272 = arith.constant 0 : i32
        %dma_start3A_273 = tpu.memref_slice %arg19[%dma_start3A_271, %dma_start3A_272] : memref<10000x128xf32, #tpu.memory_space<vmem_shared>> -> memref<10000x128xf32, #tpu.memory_space<vmem_shared>>
        tpu.enqueue_indirect_dma source(%arg15 : memref<128x128xf32, #tpu.memory_space<vmem>>) target(%dma_start3A_273 : memref<10000x128xf32, #tpu.memory_space<vmem_shared>>) offsets(%arg13 : memref<128xi32, #tpu.memory_space<vmem>>) semaphore(%run_scoped3A : memref<!tpu.dma_semaphore, #tpu.memory_space<semaphore_mem>>) {add = true}
        %dma_wait3A_274 = arith.constant 0 : i32
        %dma_wait3A_275 = arith.constant 0 : i32
        %dma_wait3A_276 = tpu.memref_slice %arg19[%dma_wait3A_274, %dma_wait3A_275] : memref<10000x128xf32, #tpu.memory_space<vmem_shared>> -> memref<10000x128xf32, #tpu.memory_space<vmem_shared>>
        tpu.wait_indirect_dma semaphore(%run_scoped3A : memref<!tpu.dma_semaphore, #tpu.memory_space<semaphore_mem>>) src(%arg15 : memref<128x128xf32, #tpu.memory_space<vmem>>) dst(%dma_wait3A_276 : memref<10000x128xf32, #tpu.memory_space<vmem_shared>>)
        tpu.yield
      }) : () -> ()
      %mul3A_255 = arith.constant 4 : i32
      %mul3A_256 = arith.muli %mul3A_255, %add3A_138 : i32
      %add3A_257 = arith.constant 3 : i32
      %add3A_258 = arith.addi %mul3A_256, %add3A_257 : i32
      %add3A_259 = arith.constant 4 : i32
      %add3A_260 = arith.addi %add3A_258, %add3A_259 : i32
      %mul3A_261 = arith.constant 128 : i32
      %mul3A_262 = arith.muli %add3A_260, %mul3A_261 : i32
      %add3A_263 = arith.addi %add3A_11, %mul3A_262 : i32
      %dma_start3A_264 = tpu.memref_slice %arg3[%add3A_263] : memref<640000xi32, #tpu.memory_space<hbm>> -> memref<128xi32, #tpu.memory_space<hbm>>
      %dma_start3A_265 = tpu.memref_slice %arg3[%add3A_263] : memref<640000xi32, #tpu.memory_space<hbm>> -> memref<128xi32, #tpu.memory_space<hbm>>
      tpu.enqueue_dma source(%dma_start3A_265 : memref<128xi32, #tpu.memory_space<hbm>>) target(%arg9 : memref<128xi32, #tpu.memory_space<vmem>>) target_semaphore(%arg23 : memref<!tpu.dma_semaphore, #tpu.memory_space<semaphore_mem>>)
      %mul3A_266 = arith.constant 128 : i32
      %mul3A_267 = arith.muli %add3A_260, %mul3A_266 : i32
      %add3A_268 = arith.addi %add3A_11, %mul3A_267 : i32
      %dma_start3A_269 = tpu.memref_slice %arg4[%add3A_268] : memref<640000xi32, #tpu.memory_space<hbm>> -> memref<128xi32, #tpu.memory_space<hbm>>
      %dma_start3A_270 = tpu.memref_slice %arg4[%add3A_268] : memref<640000xi32, #tpu.memory_space<hbm>> -> memref<128xi32, #tpu.memory_space<hbm>>
      tpu.enqueue_dma source(%dma_start3A_270 : memref<128xi32, #tpu.memory_space<hbm>>) target(%arg13 : memref<128xi32, #tpu.memory_space<vmem>>) target_semaphore(%arg23 : memref<!tpu.dma_semaphore, #tpu.memory_space<semaphore_mem>>)
    }
    %scan3A_56 = arith.constant 38 : i32
    %dma_wait3A_57 = arith.constant 0 : i32
    %dma_wait3A_58 = tpu.memref_slice %arg3[%dma_wait3A_57] : memref<640000xi32, #tpu.memory_space<hbm>> -> memref<128xi32, #tpu.memory_space<hbm>>
    %dma_wait3A_59 = arith.constant 0 : i32
    %dma_wait3A_60 = tpu.memref_slice %arg3[%dma_wait3A_59] : memref<640000xi32, #tpu.memory_space<hbm>> -> memref<128xi32, #tpu.memory_space<hbm>>
    tpu.wait_dma2 semaphore(%arg21 : memref<!tpu.dma_semaphore, #tpu.memory_space<semaphore_mem>>) src(%dma_wait3A_60 : memref<128xi32, #tpu.memory_space<hbm>>) dst(%arg7 : memref<128xi32, #tpu.memory_space<vmem>>)
    %dma_wait3A_61 = arith.constant 0 : i32
    %dma_wait3A_62 = tpu.memref_slice %arg3[%dma_wait3A_61] : memref<640000xi32, #tpu.memory_space<hbm>> -> memref<128xi32, #tpu.memory_space<hbm>>
    %dma_wait3A_63 = arith.constant 0 : i32
    %dma_wait3A_64 = tpu.memref_slice %arg3[%dma_wait3A_63] : memref<640000xi32, #tpu.memory_space<hbm>> -> memref<128xi32, #tpu.memory_space<hbm>>
    tpu.wait_dma2 semaphore(%arg21 : memref<!tpu.dma_semaphore, #tpu.memory_space<semaphore_mem>>) src(%dma_wait3A_64 : memref<128xi32, #tpu.memory_space<hbm>>) dst(%arg11 : memref<128xi32, #tpu.memory_space<vmem>>)
    %dma_start3A_65 = arith.constant 0 : i32
    %dma_start3A_66 = arith.constant 0 : i32
    %dma_start3A_67 = tpu.memref_slice %arg2[%dma_start3A_65, %dma_start3A_66] : memref<20000x128xf32, #tpu.memory_space<hbm>> -> memref<20000x128xf32, #tpu.memory_space<hbm>>
    tpu.enqueue_indirect_dma source(%dma_start3A_67 : memref<20000x128xf32, #tpu.memory_space<hbm>>) target(%arg15 : memref<128x128xf32, #tpu.memory_space<vmem>>) offsets(%arg7 : memref<128xi32, #tpu.memory_space<vmem>>) semaphore(%arg25 : memref<!tpu.dma_semaphore, #tpu.memory_space<semaphore_mem>>)
    %dma_wait3A_68 = arith.constant 0 : i32
    %dma_wait3A_69 = arith.constant 0 : i32
    %dma_wait3A_70 = tpu.memref_slice %arg2[%dma_wait3A_68, %dma_wait3A_69] : memref<20000x128xf32, #tpu.memory_space<hbm>> -> memref<128x128xf32, #tpu.memory_space<hbm>>
    %dma_wait3A_71 = arith.constant 0 : i32
    %dma_wait3A_72 = arith.constant 0 : i32
    %dma_wait3A_73 = tpu.memref_slice %arg2[%dma_wait3A_71, %dma_wait3A_72] : memref<20000x128xf32, #tpu.memory_space<hbm>> -> memref<128x128xf32, #tpu.memory_space<hbm>>
    tpu.wait_dma2 semaphore(%arg24 : memref<!tpu.dma_semaphore, #tpu.memory_space<semaphore_mem>>) src(%dma_wait3A_73 : memref<128x128xf32, #tpu.memory_space<hbm>>) dst(%arg14 : memref<128x128xf32, #tpu.memory_space<vmem>>)
    "tpu.region"() ({
      %run_scoped3A = tpu.sem_alloc : memref<!tpu.dma_semaphore, #tpu.memory_space<semaphore_mem>>
      %dma_start3A_134 = arith.constant 0 : i32
      %dma_start3A_135 = arith.constant 0 : i32
      %dma_start3A_136 = tpu.memref_slice %arg19[%dma_start3A_134, %dma_start3A_135] : memref<10000x128xf32, #tpu.memory_space<vmem_shared>> -> memref<10000x128xf32, #tpu.memory_space<vmem_shared>>
      tpu.enqueue_indirect_dma source(%arg14 : memref<128x128xf32, #tpu.memory_space<vmem>>) target(%dma_start3A_136 : memref<10000x128xf32, #tpu.memory_space<vmem_shared>>) offsets(%arg10 : memref<128xi32, #tpu.memory_space<vmem>>) semaphore(%run_scoped3A : memref<!tpu.dma_semaphore, #tpu.memory_space<semaphore_mem>>) {add = true}
      %dma_wait3A_137 = arith.constant 0 : i32
      %dma_wait3A_138 = arith.constant 0 : i32
      %dma_wait3A_139 = tpu.memref_slice %arg19[%dma_wait3A_137, %dma_wait3A_138] : memref<10000x128xf32, #tpu.memory_space<vmem_shared>> -> memref<10000x128xf32, #tpu.memory_space<vmem_shared>>
      tpu.wait_indirect_dma semaphore(%run_scoped3A : memref<!tpu.dma_semaphore, #tpu.memory_space<semaphore_mem>>) src(%arg14 : memref<128x128xf32, #tpu.memory_space<vmem>>) dst(%dma_wait3A_139 : memref<10000x128xf32, #tpu.memory_space<vmem_shared>>)
      tpu.yield
    }) : () -> ()
    %dma_wait3A_74 = arith.constant 0 : i32
    %dma_wait3A_75 = tpu.memref_slice %arg3[%dma_wait3A_74] : memref<640000xi32, #tpu.memory_space<hbm>> -> memref<128xi32, #tpu.memory_space<hbm>>
    %dma_wait3A_76 = arith.constant 0 : i32
    %dma_wait3A_77 = tpu.memref_slice %arg3[%dma_wait3A_76] : memref<640000xi32, #tpu.memory_space<hbm>> -> memref<128xi32, #tpu.memory_space<hbm>>
    tpu.wait_dma2 semaphore(%arg22 : memref<!tpu.dma_semaphore, #tpu.memory_space<semaphore_mem>>) src(%dma_wait3A_77 : memref<128xi32, #tpu.memory_space<hbm>>) dst(%arg8 : memref<128xi32, #tpu.memory_space<vmem>>)
    %dma_wait3A_78 = arith.constant 0 : i32
    %dma_wait3A_79 = tpu.memref_slice %arg3[%dma_wait3A_78] : memref<640000xi32, #tpu.memory_space<hbm>> -> memref<128xi32, #tpu.memory_space<hbm>>
    %dma_wait3A_80 = arith.constant 0 : i32
    %dma_wait3A_81 = tpu.memref_slice %arg3[%dma_wait3A_80] : memref<640000xi32, #tpu.memory_space<hbm>> -> memref<128xi32, #tpu.memory_space<hbm>>
    tpu.wait_dma2 semaphore(%arg22 : memref<!tpu.dma_semaphore, #tpu.memory_space<semaphore_mem>>) src(%dma_wait3A_81 : memref<128xi32, #tpu.memory_space<hbm>>) dst(%arg12 : memref<128xi32, #tpu.memory_space<vmem>>)
    %dma_start3A_82 = arith.constant 0 : i32
    %dma_start3A_83 = arith.constant 0 : i32
    %dma_start3A_84 = tpu.memref_slice %arg2[%dma_start3A_82, %dma_start3A_83] : memref<20000x128xf32, #tpu.memory_space<hbm>> -> memref<20000x128xf32, #tpu.memory_space<hbm>>
    tpu.enqueue_indirect_dma source(%dma_start3A_84 : memref<20000x128xf32, #tpu.memory_space<hbm>>) target(%arg14 : memref<128x128xf32, #tpu.memory_space<vmem>>) offsets(%arg8 : memref<128xi32, #tpu.memory_space<vmem>>) semaphore(%arg24 : memref<!tpu.dma_semaphore, #tpu.memory_space<semaphore_mem>>)
    %dma_wait3A_85 = arith.constant 0 : i32
    %dma_wait3A_86 = arith.constant 0 : i32
    %dma_wait3A_87 = tpu.memref_slice %arg2[%dma_wait3A_85, %dma_wait3A_86] : memref<20000x128xf32, #tpu.memory_space<hbm>> -> memref<128x128xf32, #tpu.memory_space<hbm>>
    %dma_wait3A_88 = arith.constant 0 : i32
    %dma_wait3A_89 = arith.constant 0 : i32
    %dma_wait3A_90 = tpu.memref_slice %arg2[%dma_wait3A_88, %dma_wait3A_89] : memref<20000x128xf32, #tpu.memory_space<hbm>> -> memref<128x128xf32, #tpu.memory_space<hbm>>
    tpu.wait_dma2 semaphore(%arg25 : memref<!tpu.dma_semaphore, #tpu.memory_space<semaphore_mem>>) src(%dma_wait3A_90 : memref<128x128xf32, #tpu.memory_space<hbm>>) dst(%arg15 : memref<128x128xf32, #tpu.memory_space<vmem>>)
    "tpu.region"() ({
      %run_scoped3A = tpu.sem_alloc : memref<!tpu.dma_semaphore, #tpu.memory_space<semaphore_mem>>
      %dma_start3A_134 = arith.constant 0 : i32
      %dma_start3A_135 = arith.constant 0 : i32
      %dma_start3A_136 = tpu.memref_slice %arg19[%dma_start3A_134, %dma_start3A_135] : memref<10000x128xf32, #tpu.memory_space<vmem_shared>> -> memref<10000x128xf32, #tpu.memory_space<vmem_shared>>
      tpu.enqueue_indirect_dma source(%arg15 : memref<128x128xf32, #tpu.memory_space<vmem>>) target(%dma_start3A_136 : memref<10000x128xf32, #tpu.memory_space<vmem_shared>>) offsets(%arg11 : memref<128xi32, #tpu.memory_space<vmem>>) semaphore(%run_scoped3A : memref<!tpu.dma_semaphore, #tpu.memory_space<semaphore_mem>>) {add = true}
      %dma_wait3A_137 = arith.constant 0 : i32
      %dma_wait3A_138 = arith.constant 0 : i32
      %dma_wait3A_139 = tpu.memref_slice %arg19[%dma_wait3A_137, %dma_wait3A_138] : memref<10000x128xf32, #tpu.memory_space<vmem_shared>> -> memref<10000x128xf32, #tpu.memory_space<vmem_shared>>
      tpu.wait_indirect_dma semaphore(%run_scoped3A : memref<!tpu.dma_semaphore, #tpu.memory_space<semaphore_mem>>) src(%arg15 : memref<128x128xf32, #tpu.memory_space<vmem>>) dst(%dma_wait3A_139 : memref<10000x128xf32, #tpu.memory_space<vmem_shared>>)
      tpu.yield
    }) : () -> ()
    %dma_wait3A_91 = arith.constant 0 : i32
    %dma_wait3A_92 = tpu.memref_slice %arg3[%dma_wait3A_91] : memref<640000xi32, #tpu.memory_space<hbm>> -> memref<128xi32, #tpu.memory_space<hbm>>
    %dma_wait3A_93 = arith.constant 0 : i32
    %dma_wait3A_94 = tpu.memref_slice %arg3[%dma_wait3A_93] : memref<640000xi32, #tpu.memory_space<hbm>> -> memref<128xi32, #tpu.memory_space<hbm>>
    tpu.wait_dma2 semaphore(%arg23 : memref<!tpu.dma_semaphore, #tpu.memory_space<semaphore_mem>>) src(%dma_wait3A_94 : memref<128xi32, #tpu.memory_space<hbm>>) dst(%arg9 : memref<128xi32, #tpu.memory_space<vmem>>)
    %dma_wait3A_95 = arith.constant 0 : i32
    %dma_wait3A_96 = tpu.memref_slice %arg3[%dma_wait3A_95] : memref<640000xi32, #tpu.memory_space<hbm>> -> memref<128xi32, #tpu.memory_space<hbm>>
    %dma_wait3A_97 = arith.constant 0 : i32
    %dma_wait3A_98 = tpu.memref_slice %arg3[%dma_wait3A_97] : memref<640000xi32, #tpu.memory_space<hbm>> -> memref<128xi32, #tpu.memory_space<hbm>>
    tpu.wait_dma2 semaphore(%arg23 : memref<!tpu.dma_semaphore, #tpu.memory_space<semaphore_mem>>) src(%dma_wait3A_98 : memref<128xi32, #tpu.memory_space<hbm>>) dst(%arg13 : memref<128xi32, #tpu.memory_space<vmem>>)
    %dma_start3A_99 = arith.constant 0 : i32
    %dma_start3A_100 = arith.constant 0 : i32
    %dma_start3A_101 = tpu.memref_slice %arg2[%dma_start3A_99, %dma_start3A_100] : memref<20000x128xf32, #tpu.memory_space<hbm>> -> memref<20000x128xf32, #tpu.memory_space<hbm>>
    tpu.enqueue_indirect_dma source(%dma_start3A_101 : memref<20000x128xf32, #tpu.memory_space<hbm>>) target(%arg15 : memref<128x128xf32, #tpu.memory_space<vmem>>) offsets(%arg9 : memref<128xi32, #tpu.memory_space<vmem>>) semaphore(%arg25 : memref<!tpu.dma_semaphore, #tpu.memory_space<semaphore_mem>>)
    %dma_wait3A_102 = arith.constant 0 : i32
    %dma_wait3A_103 = arith.constant 0 : i32
    %dma_wait3A_104 = tpu.memref_slice %arg2[%dma_wait3A_102, %dma_wait3A_103] : memref<20000x128xf32, #tpu.memory_space<hbm>> -> memref<128x128xf32, #tpu.memory_space<hbm>>
    %dma_wait3A_105 = arith.constant 0 : i32
    %dma_wait3A_106 = arith.constant 0 : i32
    %dma_wait3A_107 = tpu.memref_slice %arg2[%dma_wait3A_105, %dma_wait3A_106] : memref<20000x128xf32, #tpu.memory_space<hbm>> -> memref<128x128xf32, #tpu.memory_space<hbm>>
    tpu.wait_dma2 semaphore(%arg24 : memref<!tpu.dma_semaphore, #tpu.memory_space<semaphore_mem>>) src(%dma_wait3A_107 : memref<128x128xf32, #tpu.memory_space<hbm>>) dst(%arg14 : memref<128x128xf32, #tpu.memory_space<vmem>>)
    "tpu.region"() ({
      %run_scoped3A = tpu.sem_alloc : memref<!tpu.dma_semaphore, #tpu.memory_space<semaphore_mem>>
      %dma_start3A_134 = arith.constant 0 : i32
      %dma_start3A_135 = arith.constant 0 : i32
      %dma_start3A_136 = tpu.memref_slice %arg19[%dma_start3A_134, %dma_start3A_135] : memref<10000x128xf32, #tpu.memory_space<vmem_shared>> -> memref<10000x128xf32, #tpu.memory_space<vmem_shared>>
      tpu.enqueue_indirect_dma source(%arg14 : memref<128x128xf32, #tpu.memory_space<vmem>>) target(%dma_start3A_136 : memref<10000x128xf32, #tpu.memory_space<vmem_shared>>) offsets(%arg12 : memref<128xi32, #tpu.memory_space<vmem>>) semaphore(%run_scoped3A : memref<!tpu.dma_semaphore, #tpu.memory_space<semaphore_mem>>) {add = true}
      %dma_wait3A_137 = arith.constant 0 : i32
      %dma_wait3A_138 = arith.constant 0 : i32
      %dma_wait3A_139 = tpu.memref_slice %arg19[%dma_wait3A_137, %dma_wait3A_138] : memref<10000x128xf32, #tpu.memory_space<vmem_shared>> -> memref<10000x128xf32, #tpu.memory_space<vmem_shared>>
      tpu.wait_indirect_dma semaphore(%run_scoped3A : memref<!tpu.dma_semaphore, #tpu.memory_space<semaphore_mem>>) src(%arg14 : memref<128x128xf32, #tpu.memory_space<vmem>>) dst(%dma_wait3A_139 : memref<10000x128xf32, #tpu.memory_space<vmem_shared>>)
      tpu.yield
    }) : () -> ()
    %dma_wait3A_108 = arith.constant 0 : i32
    %dma_wait3A_109 = arith.constant 0 : i32
    %dma_wait3A_110 = tpu.memref_slice %arg2[%dma_wait3A_108, %dma_wait3A_109] : memref<20000x128xf32, #tpu.memory_space<hbm>> -> memref<128x128xf32, #tpu.memory_space<hbm>>
    %dma_wait3A_111 = arith.constant 0 : i32
    %dma_wait3A_112 = arith.constant 0 : i32
    %dma_wait3A_113 = tpu.memref_slice %arg2[%dma_wait3A_111, %dma_wait3A_112] : memref<20000x128xf32, #tpu.memory_space<hbm>> -> memref<128x128xf32, #tpu.memory_space<hbm>>
    tpu.wait_dma2 semaphore(%arg25 : memref<!tpu.dma_semaphore, #tpu.memory_space<semaphore_mem>>) src(%dma_wait3A_113 : memref<128x128xf32, #tpu.memory_space<hbm>>) dst(%arg15 : memref<128x128xf32, #tpu.memory_space<vmem>>)
    "tpu.region"() ({
      %run_scoped3A = tpu.sem_alloc : memref<!tpu.dma_semaphore, #tpu.memory_space<semaphore_mem>>
      %dma_start3A_134 = arith.constant 0 : i32
      %dma_start3A_135 = arith.constant 0 : i32
      %dma_start3A_136 = tpu.memref_slice %arg19[%dma_start3A_134, %dma_start3A_135] : memref<10000x128xf32, #tpu.memory_space<vmem_shared>> -> memref<10000x128xf32, #tpu.memory_space<vmem_shared>>
      tpu.enqueue_indirect_dma source(%arg15 : memref<128x128xf32, #tpu.memory_space<vmem>>) target(%dma_start3A_136 : memref<10000x128xf32, #tpu.memory_space<vmem_shared>>) offsets(%arg13 : memref<128xi32, #tpu.memory_space<vmem>>) semaphore(%run_scoped3A : memref<!tpu.dma_semaphore, #tpu.memory_space<semaphore_mem>>) {add = true}
      %dma_wait3A_137 = arith.constant 0 : i32
      %dma_wait3A_138 = arith.constant 0 : i32
      %dma_wait3A_139 = tpu.memref_slice %arg19[%dma_wait3A_137, %dma_wait3A_138] : memref<10000x128xf32, #tpu.memory_space<vmem_shared>> -> memref<10000x128xf32, #tpu.memory_space<vmem_shared>>
      tpu.wait_indirect_dma semaphore(%run_scoped3A : memref<!tpu.dma_semaphore, #tpu.memory_space<semaphore_mem>>) src(%arg15 : memref<128x128xf32, #tpu.memory_space<vmem>>) dst(%dma_wait3A_139 : memref<10000x128xf32, #tpu.memory_space<vmem_shared>>)
      tpu.yield
    }) : () -> ()
    %add3A_114 = arith.constant 19968 : i32
    %add3A_115 = arith.addi %add3A_11, %add3A_114 : i32
    "tpu.region"() ({
      %run_scoped3A = tpu.sem_alloc : memref<!tpu.dma_semaphore, #tpu.memory_space<semaphore_mem>>
      %dma_start3A_134 = tpu.memref_slice %arg3[%add3A_115] : memref<640000xi32, #tpu.memory_space<hbm>> -> memref<32xi32, #tpu.memory_space<hbm>>
      %dma_start3A_135 = tpu.memref_slice %arg3[%add3A_115] : memref<640000xi32, #tpu.memory_space<hbm>> -> memref<32xi32, #tpu.memory_space<hbm>>
      tpu.enqueue_dma source(%dma_start3A_135 : memref<32xi32, #tpu.memory_space<hbm>>) target(%arg16 : memref<32xi32, #tpu.memory_space<vmem>>) target_semaphore(%run_scoped3A : memref<!tpu.dma_semaphore, #tpu.memory_space<semaphore_mem>>)
      %dma_wait3A_136 = tpu.memref_slice %arg3[%add3A_115] : memref<640000xi32, #tpu.memory_space<hbm>> -> memref<32xi32, #tpu.memory_space<hbm>>
      %dma_wait3A_137 = tpu.memref_slice %arg3[%add3A_115] : memref<640000xi32, #tpu.memory_space<hbm>> -> memref<32xi32, #tpu.memory_space<hbm>>
      tpu.wait_dma2 semaphore(%run_scoped3A : memref<!tpu.dma_semaphore, #tpu.memory_space<semaphore_mem>>) src(%dma_wait3A_137 : memref<32xi32, #tpu.memory_space<hbm>>) dst(%arg16 : memref<32xi32, #tpu.memory_space<vmem>>)
      tpu.yield
    }) : () -> ()
    %add3A_116 = arith.constant 19968 : i32
    %add3A_117 = arith.addi %add3A_11, %add3A_116 : i32
    "tpu.region"() ({
      %run_scoped3A = tpu.sem_alloc : memref<!tpu.dma_semaphore, #tpu.memory_space<semaphore_mem>>
      %dma_start3A_134 = tpu.memref_slice %arg4[%add3A_117] : memref<640000xi32, #tpu.memory_space<hbm>> -> memref<32xi32, #tpu.memory_space<hbm>>
      %dma_start3A_135 = tpu.memref_slice %arg4[%add3A_117] : memref<640000xi32, #tpu.memory_space<hbm>> -> memref<32xi32, #tpu.memory_space<hbm>>
      tpu.enqueue_dma source(%dma_start3A_135 : memref<32xi32, #tpu.memory_space<hbm>>) target(%arg17 : memref<32xi32, #tpu.memory_space<vmem>>) target_semaphore(%run_scoped3A : memref<!tpu.dma_semaphore, #tpu.memory_space<semaphore_mem>>)
      %dma_wait3A_136 = tpu.memref_slice %arg4[%add3A_117] : memref<640000xi32, #tpu.memory_space<hbm>> -> memref<32xi32, #tpu.memory_space<hbm>>
      %dma_wait3A_137 = tpu.memref_slice %arg4[%add3A_117] : memref<640000xi32, #tpu.memory_space<hbm>> -> memref<32xi32, #tpu.memory_space<hbm>>
      tpu.wait_dma2 semaphore(%run_scoped3A : memref<!tpu.dma_semaphore, #tpu.memory_space<semaphore_mem>>) src(%dma_wait3A_137 : memref<32xi32, #tpu.memory_space<hbm>>) dst(%arg17 : memref<32xi32, #tpu.memory_space<vmem>>)
      tpu.yield
    }) : () -> ()
    %dma_start3A_118 = arith.constant 0 : i32
    %dma_start3A_119 = arith.constant 0 : i32
    %dma_start3A_120 = tpu.memref_slice %arg2[%dma_start3A_118, %dma_start3A_119] : memref<20000x128xf32, #tpu.memory_space<hbm>> -> memref<20000x128xf32, #tpu.memory_space<hbm>>
    tpu.enqueue_indirect_dma source(%dma_start3A_120 : memref<20000x128xf32, #tpu.memory_space<hbm>>) target(%arg18 : memref<32x128xf32, #tpu.memory_space<vmem>>) offsets(%arg16 : memref<32xi32, #tpu.memory_space<vmem>>) semaphore(%arg24 : memref<!tpu.dma_semaphore, #tpu.memory_space<semaphore_mem>>)
    %dma_wait3A_121 = arith.constant 0 : i32
    %dma_wait3A_122 = arith.constant 0 : i32
    %dma_wait3A_123 = tpu.memref_slice %arg2[%dma_wait3A_121, %dma_wait3A_122] : memref<20000x128xf32, #tpu.memory_space<hbm>> -> memref<20000x128xf32, #tpu.memory_space<hbm>>
    tpu.wait_indirect_dma semaphore(%arg24 : memref<!tpu.dma_semaphore, #tpu.memory_space<semaphore_mem>>) src(%dma_wait3A_123 : memref<20000x128xf32, #tpu.memory_space<hbm>>) dst(%arg18 : memref<32x128xf32, #tpu.memory_space<vmem>>)
    "tpu.region"() ({
      %run_scoped3A = tpu.sem_alloc : memref<!tpu.dma_semaphore, #tpu.memory_space<semaphore_mem>>
      %dma_start3A_134 = arith.constant 0 : i32
      %dma_start3A_135 = arith.constant 0 : i32
      %dma_start3A_136 = tpu.memref_slice %arg19[%dma_start3A_134, %dma_start3A_135] : memref<10000x128xf32, #tpu.memory_space<vmem_shared>> -> memref<10000x128xf32, #tpu.memory_space<vmem_shared>>
      tpu.enqueue_indirect_dma source(%arg18 : memref<32x128xf32, #tpu.memory_space<vmem>>) target(%dma_start3A_136 : memref<10000x128xf32, #tpu.memory_space<vmem_shared>>) offsets(%arg17 : memref<32xi32, #tpu.memory_space<vmem>>) semaphore(%run_scoped3A : memref<!tpu.dma_semaphore, #tpu.memory_space<semaphore_mem>>) {add = true}
      %dma_wait3A_137 = arith.constant 0 : i32
      %dma_wait3A_138 = arith.constant 0 : i32
      %dma_wait3A_139 = tpu.memref_slice %arg19[%dma_wait3A_137, %dma_wait3A_138] : memref<10000x128xf32, #tpu.memory_space<vmem_shared>> -> memref<10000x128xf32, #tpu.memory_space<vmem_shared>>
      tpu.wait_indirect_dma semaphore(%run_scoped3A : memref<!tpu.dma_semaphore, #tpu.memory_space<semaphore_mem>>) src(%arg18 : memref<32x128xf32, #tpu.memory_space<vmem>>) dst(%dma_wait3A_139 : memref<10000x128xf32, #tpu.memory_space<vmem_shared>>)
      tpu.yield
    }) : () -> ()
    %barrier3A_124 = arith.constant 0 : index
    tpu.barrier barrier_id(%barrier3A_124)
    %mul3A_125 = arith.constant 624 : i32
    %mul3A_126 = arith.muli %arg1, %mul3A_125 : i32
    %mul3A_127 = arith.constant 624 : i32
    %mul3A_128 = arith.muli %arg1, %mul3A_127 : i32
    "tpu.region"() ({
      %run_scoped3A = tpu.sem_alloc : memref<!tpu.dma_semaphore, #tpu.memory_space<semaphore_mem>>
      %dma_start3A_134 = arith.constant 0 : i32
      %dma_start3A_135 = tpu.memref_slice %arg5[%arg0, %mul3A_128, %dma_start3A_134] : memref<2x10000x128xf32, #tpu.memory_space<hbm>> -> memref<1x624x128xf32, #tpu.memory_space<hbm>>
      %dma_start3A_136 = tpu.memref_squeeze %dma_start3A_135 : memref<1x624x128xf32, #tpu.memory_space<hbm>> -> memref<624x128xf32, #tpu.memory_space<hbm>>
      %dma_start3A_137 = arith.constant 0 : i32
      %dma_start3A_138 = tpu.memref_slice %arg19[%mul3A_126, %dma_start3A_137] : memref<10000x128xf32, #tpu.memory_space<vmem_shared>> -> memref<624x128xf32, #tpu.memory_space<vmem_shared>>
      tpu.enqueue_dma source(%dma_start3A_138 : memref<624x128xf32, #tpu.memory_space<vmem_shared>>) target(%dma_start3A_136 : memref<624x128xf32, #tpu.memory_space<hbm>>) target_semaphore(%run_scoped3A : memref<!tpu.dma_semaphore, #tpu.memory_space<semaphore_mem>>)
      %dma_wait3A_139 = arith.constant 0 : i32
      %dma_wait3A_140 = tpu.memref_slice %arg5[%arg0, %mul3A_128, %dma_wait3A_139] : memref<2x10000x128xf32, #tpu.memory_space<hbm>> -> memref<1x624x128xf32, #tpu.memory_space<hbm>>
      %dma_wait3A_141 = tpu.memref_squeeze %dma_wait3A_140 : memref<1x624x128xf32, #tpu.memory_space<hbm>> -> memref<624x128xf32, #tpu.memory_space<hbm>>
      %dma_wait3A_142 = arith.constant 0 : i32
      %dma_wait3A_143 = tpu.memref_slice %arg19[%mul3A_126, %dma_wait3A_142] : memref<10000x128xf32, #tpu.memory_space<vmem_shared>> -> memref<624x128xf32, #tpu.memory_space<vmem_shared>>
      tpu.wait_dma2 semaphore(%run_scoped3A : memref<!tpu.dma_semaphore, #tpu.memory_space<semaphore_mem>>) src(%dma_wait3A_143 : memref<624x128xf32, #tpu.memory_space<vmem_shared>>) dst(%dma_wait3A_141 : memref<624x128xf32, #tpu.memory_space<hbm>>)
      tpu.yield
    }) : () -> ()
    %eq3A_129 = arith.constant 15 : i32
    %eq3A_130 = arith.cmpi eq, %arg1, %eq3A_129 : i32
    %convert_element_type3A_131 = arith.extui %eq3A_130 : i1 to i32
    %cond3A_132 = arith.constant 0 : i32
    %cond3A_133 = arith.cmpi ne, %convert_element_type3A_131, %cond3A_132 : i32
    scf.if %cond3A_133 {
      "tpu.region"() ({
        %run_scoped3A = tpu.sem_alloc : memref<!tpu.dma_semaphore, #tpu.memory_space<semaphore_mem>>
        %dma_start3A_134 = arith.constant 9984 : i32
        %dma_start3A_135 = arith.constant 0 : i32
        %dma_start3A_136 = tpu.memref_slice %arg5[%arg0, %dma_start3A_134, %dma_start3A_135] : memref<2x10000x128xf32, #tpu.memory_space<hbm>> -> memref<1x16x128xf32, #tpu.memory_space<hbm>>
        %dma_start3A_137 = tpu.memref_squeeze %dma_start3A_136 : memref<1x16x128xf32, #tpu.memory_space<hbm>> -> memref<16x128xf32, #tpu.memory_space<hbm>>
        %dma_start3A_138 = arith.constant 9984 : i32
        %dma_start3A_139 = arith.constant 0 : i32
        %dma_start3A_140 = tpu.memref_slice %arg19[%dma_start3A_138, %dma_start3A_139] : memref<10000x128xf32, #tpu.memory_space<vmem_shared>> -> memref<16x128xf32, #tpu.memory_space<vmem_shared>>
        tpu.enqueue_dma source(%dma_start3A_140 : memref<16x128xf32, #tpu.memory_space<vmem_shared>>) target(%dma_start3A_137 : memref<16x128xf32, #tpu.memory_space<hbm>>) target_semaphore(%run_scoped3A : memref<!tpu.dma_semaphore, #tpu.memory_space<semaphore_mem>>)
        %dma_wait3A_141 = arith.constant 9984 : i32
        %dma_wait3A_142 = arith.constant 0 : i32
        %dma_wait3A_143 = tpu.memref_slice %arg5[%arg0, %dma_wait3A_141, %dma_wait3A_142] : memref<2x10000x128xf32, #tpu.memory_space<hbm>> -> memref<1x16x128xf32, #tpu.memory_space<hbm>>
        %dma_wait3A_144 = tpu.memref_squeeze %dma_wait3A_143 : memref<1x16x128xf32, #tpu.memory_space<hbm>> -> memref<16x128xf32, #tpu.memory_space<hbm>>
        %dma_wait3A_145 = arith.constant 9984 : i32
        %dma_wait3A_146 = arith.constant 0 : i32
        %dma_wait3A_147 = tpu.memref_slice %arg19[%dma_wait3A_145, %dma_wait3A_146] : memref<10000x128xf32, #tpu.memory_space<vmem_shared>> -> memref<16x128xf32, #tpu.memory_space<vmem_shared>>
        tpu.wait_dma2 semaphore(%run_scoped3A : memref<!tpu.dma_semaphore, #tpu.memory_space<semaphore_mem>>) src(%dma_wait3A_147 : memref<16x128xf32, #tpu.memory_space<vmem_shared>>) dst(%dma_wait3A_144 : memref<16x128xf32, #tpu.memory_space<hbm>>)
        tpu.yield
      }) : () -> ()
    } else {
    }
    return
  }
}

module attributes {stable_mosaic.version = 14 : i64} {
  func.func @_scale_body(%arg0: i32, %arg1: memref<1000x128xf32, #tpu.memory_space<vmem>>, %arg2: memref<128x128xf32, #tpu.memory_space<vmem>>, %arg3: memref<2x1000x128xf32, #tpu.memory_space<vmem>>, %arg4: memref<2x1000x128xf32, #tpu.memory_space<vmem>>) attributes {dimension_semantics = [#tpu.dimension_semantics<arbitrary>], iteration_bounds = array<i64: 10>, scalar_prefetch = 0 : i64, scratch_operands = 0 : i64, tpu.core_type = #tpu.core_type<tc>, window_params = [{transform_indices = @transform_0, window_bounds = array<i64: 1000, 128>}, {pipeline_mode = #tpu.pipeline_mode<synchronous>, transform_indices = @transform_1, window_bounds = array<i64: 128, 128>}, {transform_indices = @transform_2, window_bounds = array<i64: 2, 1000, 128>}, {transform_indices = @transform_3, window_bounds = array<i64: 2, 1000, 128>}]} {
    %get3A = arith.constant 0 : index
    %get3A_0 = arith.constant 0 : index
    %get3A_1 = vector.load %arg1[%get3A, %get3A_0] : memref<1000x128xf32, #tpu.memory_space<vmem>>, vector<1000x128xf32>
    %get3A_2 = arith.constant 0 : index
    %get3A_3 = arith.constant 0 : index
    %get3A_4 = vector.load %arg2[%get3A_2, %get3A_3] : memref<128x128xf32, #tpu.memory_space<vmem>>, vector<128x128xf32>
    %dot_general3A = arith.constant dense<0.000000e+00> : vector<1000x128xf32>
    %dot_general3A_5 = tpu.matmul %get3A_1, %get3A_4, %dot_general3A {dimension_numbers = #tpu.dot_dimension_numbers<[1], [0], [0], [1], [0, 0, 1, 1], [], []>, transpose_lhs_hint = false} : vector<1000x128xf32>, vector<128x128xf32>, vector<1000x128xf32> -> vector<1000x128xf32>
    %get3A_6 = arith.constant 0 : index
    %get3A_7 = arith.constant 0 : index
    %get3A_8 = arith.constant 0 : index
    %get3A_9 = vector.load %arg3[%get3A_6, %get3A_7, %get3A_8] : memref<2x1000x128xf32, #tpu.memory_space<vmem>>, vector<1x1000x1xf32>
    %get3A_10 = vector.shape_cast %get3A_9 : vector<1x1000x1xf32> to vector<1000x1xf32>
    %add3A = arith.constant 1.000000e+00 : f32
    %add3A_11 = vector.broadcast %add3A : f32 to vector<1000x1xf32>
    %add3A_12 = arith.addf %get3A_10, %add3A_11 : vector<1000x1xf32>
    %rsqrt3A = math.rsqrt %add3A_12 : vector<1000x1xf32>
    %get3A_13 = arith.constant 1 : index
    %get3A_14 = arith.constant 0 : index
    %get3A_15 = arith.constant 0 : index
    %get3A_16 = vector.load %arg3[%get3A_13, %get3A_14, %get3A_15] : memref<2x1000x128xf32, #tpu.memory_space<vmem>>, vector<1x1000x1xf32>
    %get3A_17 = vector.shape_cast %get3A_16 : vector<1x1000x1xf32> to vector<1000x1xf32>
    %add3A_18 = arith.constant 1.000000e+00 : f32
    %add3A_19 = vector.broadcast %add3A_18 : f32 to vector<1000x1xf32>
    %add3A_20 = arith.addf %get3A_17, %add3A_19 : vector<1000x1xf32>
    %rsqrt3A_21 = math.rsqrt %add3A_20 : vector<1000x1xf32>
    %mul3A = vector.broadcast %rsqrt3A : vector<1000x1xf32> to vector<1000x128xf32>
    %mul3A_22 = arith.mulf %mul3A, %dot_general3A_5 : vector<1000x128xf32>
    %swap3A = arith.constant 0 : index
    %swap3A_23 = arith.constant 0 : index
    %swap3A_24 = arith.constant 0 : index
    %swap3A_25 = vector.load %arg4[%swap3A, %swap3A_23, %swap3A_24] : memref<2x1000x128xf32, #tpu.memory_space<vmem>>, vector<1x1000x128xf32>
    %swap3A_26 = vector.shape_cast %swap3A_25 : vector<1x1000x128xf32> to vector<1000x128xf32>
    %swap3A_27 = vector.shape_cast %mul3A_22 : vector<1000x128xf32> to vector<1x1000x128xf32>
    tpu.vector_store %arg4[%swap3A, %swap3A_23, %swap3A_24], %swap3A_27 {strides = array<i32>} : memref<2x1000x128xf32, #tpu.memory_space<vmem>>, vector<1x1000x128xf32>,
    %mul3A_28 = vector.broadcast %rsqrt3A_21 : vector<1000x1xf32> to vector<1000x128xf32>
    %mul3A_29 = arith.mulf %mul3A_28, %dot_general3A_5 : vector<1000x128xf32>
    %swap3A_30 = arith.constant 1 : index
    %swap3A_31 = arith.constant 0 : index
    %swap3A_32 = arith.constant 0 : index
    %swap3A_33 = vector.load %arg4[%swap3A_30, %swap3A_31, %swap3A_32] : memref<2x1000x128xf32, #tpu.memory_space<vmem>>, vector<1x1000x128xf32>
    %swap3A_34 = vector.shape_cast %swap3A_33 : vector<1x1000x128xf32> to vector<1000x128xf32>
    %swap3A_35 = vector.shape_cast %mul3A_29 : vector<1000x128xf32> to vector<1x1000x128xf32>
    tpu.vector_store %arg4[%swap3A_30, %swap3A_31, %swap3A_32], %swap3A_35 {strides = array<i32>} : memref<2x1000x128xf32, #tpu.memory_space<vmem>>, vector<1x1000x128xf32>,
    return
  }
  func.func @transform_0(%arg0: i32) -> (i32, i32) {
    %c0_i32 = arith.constant 0 : i32
    %c0_i32_0 = arith.constant 0 : i32
    return %arg0, %c0_i32 : i32, i32
  }
  func.func @transform_1(%arg0: i32) -> (i32, i32) {
    %c0_i32 = arith.constant 0 : i32
    %c0_i32_0 = arith.constant 0 : i32
    %c0_i32_1 = arith.constant 0 : i32
    return %c0_i32, %c0_i32_0 : i32, i32
  }
  func.func @transform_2(%arg0: i32) -> (i32, i32, i32) {
    %c0_i32 = arith.constant 0 : i32
    %c0_i32_0 = arith.constant 0 : i32
    %c0_i32_1 = arith.constant 0 : i32
    return %c0_i32, %arg0, %c0_i32_0 : i32, i32, i32
  }
  func.func @transform_3(%arg0: i32) -> (i32, i32, i32) {
    %c0_i32 = arith.constant 0 : i32
    %c0_i32_0 = arith.constant 0 : i32
    %c0_i32_1 = arith.constant 0 : i32
    return %c0_i32, %arg0, %c0_i32_0 : i32, i32, i32
  }
}

module attributes {stable_mosaic.version = 14 : i64} {
  func.func @_final_body(%arg0: i32, %arg1: memref<2x1000x128xf32, #tpu.memory_space<vmem>>, %arg2: memref<2x1000x128xf32, #tpu.memory_space<vmem>>, %arg3: memref<1x128xf32, #tpu.memory_space<vmem>>, %arg4: memref<1000x256xf32, #tpu.memory_space<vmem>>) attributes {dimension_semantics = [#tpu.dimension_semantics<arbitrary>], iteration_bounds = array<i64: 10>, scalar_prefetch = 0 : i64, scratch_operands = 0 : i64, tpu.core_type = #tpu.core_type<tc>, window_params = [{transform_indices = @transform_0, window_bounds = array<i64: 2, 1000, 128>}, {transform_indices = @transform_1, window_bounds = array<i64: 2, 1000, 128>}, {pipeline_mode = #tpu.pipeline_mode<synchronous>, transform_indices = @transform_2, window_bounds = array<i64: 1, 128>}, {transform_indices = @transform_3, window_bounds = array<i64: 1000, 256>}]} {
    %get3A = arith.constant 0 : index
    %get3A_0 = arith.constant 0 : index
    %get3A_1 = vector.load %arg3[%get3A, %get3A_0] : memref<1x128xf32, #tpu.memory_space<vmem>>, vector<1x128xf32>
    %get3A_2 = vector.shape_cast %get3A_1 : vector<1x128xf32> to vector<128xf32>
    %get3A_3 = arith.constant 0 : index
    %get3A_4 = arith.constant 0 : index
    %get3A_5 = arith.constant 0 : index
    %get3A_6 = vector.load %arg2[%get3A_3, %get3A_4, %get3A_5] : memref<2x1000x128xf32, #tpu.memory_space<vmem>>, vector<1x1000x1xf32>
    %get3A_7 = vector.shape_cast %get3A_6 : vector<1x1000x1xf32> to vector<1000x1xf32>
    %add3A = arith.constant 1.000000e+00 : f32
    %add3A_8 = vector.broadcast %add3A : f32 to vector<1000x1xf32>
    %add3A_9 = arith.addf %get3A_7, %add3A_8 : vector<1000x1xf32>
    %rsqrt3A = math.rsqrt %add3A_9 : vector<1000x1xf32>
    %get3A_10 = arith.constant 1 : index
    %get3A_11 = arith.constant 0 : index
    %get3A_12 = arith.constant 0 : index
    %get3A_13 = vector.load %arg2[%get3A_10, %get3A_11, %get3A_12] : memref<2x1000x128xf32, #tpu.memory_space<vmem>>, vector<1x1000x1xf32>
    %get3A_14 = vector.shape_cast %get3A_13 : vector<1x1000x1xf32> to vector<1000x1xf32>
    %add3A_15 = arith.constant 1.000000e+00 : f32
    %add3A_16 = vector.broadcast %add3A_15 : f32 to vector<1000x1xf32>
    %add3A_17 = arith.addf %get3A_14, %add3A_16 : vector<1000x1xf32>
    %rsqrt3A_18 = math.rsqrt %add3A_17 : vector<1000x1xf32>
    %get3A_19 = arith.constant 0 : index
    %get3A_20 = arith.constant 0 : index
    %get3A_21 = arith.constant 0 : index
    %get3A_22 = vector.load %arg1[%get3A_19, %get3A_20, %get3A_21] : memref<2x1000x128xf32, #tpu.memory_space<vmem>>, vector<1x1000x128xf32>
    %get3A_23 = vector.shape_cast %get3A_22 : vector<1x1000x128xf32> to vector<1000x128xf32>
    %mul3A = vector.broadcast %rsqrt3A : vector<1000x1xf32> to vector<1000x128xf32>
    %mul3A_24 = arith.mulf %mul3A, %get3A_23 : vector<1000x128xf32>
    %broadcast_in_dim3A = vector.shape_cast %get3A_2 : vector<128xf32> to vector<1x128xf32>
    %add3A_25 = vector.broadcast %broadcast_in_dim3A : vector<1x128xf32> to vector<1000x128xf32>
    %add3A_26 = arith.addf %mul3A_24, %add3A_25 : vector<1000x128xf32>
    %swap3A = arith.constant 0 : index
    %swap3A_27 = arith.constant 0 : index
    %swap3A_28 = vector.load %arg4[%swap3A, %swap3A_27] : memref<1000x256xf32, #tpu.memory_space<vmem>>, vector<1000x128xf32>
    tpu.vector_store %arg4[%swap3A, %swap3A_27], %add3A_26 {strides = array<i32>} : memref<1000x256xf32, #tpu.memory_space<vmem>>, vector<1000x128xf32>,
    %get3A_29 = arith.constant 1 : index
    %get3A_30 = arith.constant 0 : index
    %get3A_31 = arith.constant 0 : index
    %get3A_32 = vector.load %arg1[%get3A_29, %get3A_30, %get3A_31] : memref<2x1000x128xf32, #tpu.memory_space<vmem>>, vector<1x1000x128xf32>
    %get3A_33 = vector.shape_cast %get3A_32 : vector<1x1000x128xf32> to vector<1000x128xf32>
    %mul3A_34 = vector.broadcast %rsqrt3A_18 : vector<1000x1xf32> to vector<1000x128xf32>
    %mul3A_35 = arith.mulf %mul3A_34, %get3A_33 : vector<1000x128xf32>
    %broadcast_in_dim3A_36 = vector.shape_cast %get3A_2 : vector<128xf32> to vector<1x128xf32>
    %add3A_37 = vector.broadcast %broadcast_in_dim3A_36 : vector<1x128xf32> to vector<1000x128xf32>
    %add3A_38 = arith.addf %mul3A_35, %add3A_37 : vector<1000x128xf32>
    %swap3A_39 = arith.constant 0 : index
    %swap3A_40 = arith.constant 128 : index
    %swap3A_41 = vector.load %arg4[%swap3A_39, %swap3A_40] : memref<1000x256xf32, #tpu.memory_space<vmem>>, vector<1000x128xf32>
    tpu.vector_store %arg4[%swap3A_39, %swap3A_40], %add3A_38 {strides = array<i32>} : memref<1000x256xf32, #tpu.memory_space<vmem>>, vector<1000x128xf32>,
    return
  }
  func.func @transform_0(%arg0: i32) -> (i32, i32, i32) {
    %c0_i32 = arith.constant 0 : i32
    %c0_i32_0 = arith.constant 0 : i32
    %c0_i32_1 = arith.constant 0 : i32
    return %c0_i32, %arg0, %c0_i32_0 : i32, i32, i32
  }
  func.func @transform_1(%arg0: i32) -> (i32, i32, i32) {
    %c0_i32 = arith.constant 0 : i32
    %c0_i32_0 = arith.constant 0 : i32
    %c0_i32_1 = arith.constant 0 : i32
    return %c0_i32, %arg0, %c0_i32_0 : i32, i32, i32
  }
  func.func @transform_2(%arg0: i32) -> (i32, i32) {
    %c0_i32 = arith.constant 0 : i32
    %c0_i32_0 = arith.constant 0 : i32
    %c0_i32_1 = arith.constant 0 : i32
    return %c0_i32, %c0_i32_0 : i32, i32
  }
  func.func @transform_3(%arg0: i32) -> (i32, i32) {
    %c0_i32 = arith.constant 0 : i32
    %c0_i32_0 = arith.constant 0 : i32
    return %arg0, %c0_i32 : i32, i32
  }
}

</mosaic_0001>

<sc_bundles>
// kernel: kernel.6.cloned.1.call-start
scs
__scs_entry_jumppad:
0x0: {  	(pc) =	sbr.rel $0x88, $3  }
0x1: {  	(tag) =	ssettag $0x0;
	lr =	simm.s32 $0x1  }
0x2: {  	[smem:$0x3F9D] =	sst lr;
	_ =	strace $0xD0000000  }
0x3: {  	_ = 	snop  }
0x4: {  	_ = 	snop  }
0x5: {  	_ = 	snop  }
0x6: {  	_ = 	snop  }
0x7: {  	_ = 	snop  }
__scs_overlays_trampoline_lowered:
0x8: {  	[smem:$0x3FAC] =	sst s0  }
0x9: {  	[smem:$0x3FAD] =	sst s1  }
0xa: {  	[smem:$0x3FAE] =	sst s2  }
0xb: {  	[smem:$0x3FAF] =	sst s3  }
0xc: {  	[smem:$0x3FB0] =	sst s4  }
0xd: {  	[smem:$0x3FB1] =	sst s5  }
0xe: {  	[smem:$0x3FB2] =	sst s6  }
0xf: {  	[smem:$0x3FB3] =	sst s7  }
0x10: {  	[smem:$0x3FB4] =	sst s8  }
0x11: {  	[smem:$0x3FB5] =	sst s9;
	s0 =	simm.s32 @!p0 $0x0  }
0x12: {  	s1 =	sld [smem:$0x3F9B];
	s0 =	simm.s32 @p0 $0x1  }
0x13: {  	[smem:$0x3FB6] =	sst s0;
	s0 =	simm.s32 @!p1 $0x0  }
0x14: {  	s2 =	sld [smem:$0x3F9A];
	s0 =	simm.s32 @p1 $0x1  }
0x15: {  	[smem:$0x3FB7] =	sst s0;
	s0 =	simm.s32 @!p2 $0x0  }
0x16: {  	s3 =	sld [smem:$0x3FDB];
	s0 =	simm.s32 @p2 $0x1  }
0x17: {  	s4 =	simm.s32 $0x1BF5;
	[smem:$0x3FB9] =	sst s0  }
0x18: {  	s0 =	sld [smem:$0x3F9C];
	_ =	swait.ge [sflag:s4], $0x0  }
0x19: {  	s7 =	sld [smem:$0x3F9D]  }
0x1a: {  	s8 =	sadd.s32 $0xFFFFE003, lr  }
0x1b: {  	s9 =	sadd.s32 $0xFFFFFEF7, lr;
	s5 =	simm.s32 $0xFFFFFFFF;
	p2 =	slt.u32 s8, $0xFFFFF086  }
0x1c: {  	p1 =	slt.u32 s9, $0xF7A;
	s5 =	simm.s32 @!p2 $0x0  }
0x1d: {  	s5 =	simm.s32 @p1 $0x1;
	p0 =	seq.s32 s7, s2  }
0x1e: {  	s7 =	smul.u32 @!p0 $0xF7A, s2;
	p2 =	seq.s32 @!p0 s5, $0x0  }
0x1f: {  	s9 =	smul.u32 $0xF7A, s1;
	s8 =	simm.s32 @!p0 $0x1BF5;
	p2 =	por !p2, p0  }
0x20: {  	[sflag:s8] =	ssyncset.s32 @!p0 $0xFFFFF086;
	s6 =	sadd.s32 @!p0 s3, s7;
	s7 =	simm.s32 @!p0 $0x108  }
0x21: {  	s3 =	sadd.s32 s3, s9;
	s6 =	sadd.s32 @!p0 $0x88, s6;
	s7 =	simm.s32 @p2 $0x1082  }
0x22: {  	[simem:s7], [sflag:s8] =	dma.local @!p0 [hbm:s6], $0xF7A  }
0x23: {  	s9 =	sor.u32 $0xD0000000, s2;
	s6 =	simm.s32 $0x108;
	_ =	swait.ge @!p0 [sflag:s8], $0x0  }
0x24: {  	s3 =	sadd.s32 $0x88, s3;
	s6 =	simm.s32 @!p1 $0x1082;
	[sflag:s4] =	ssyncset.s32 $0xFFFFF086  }
0x25: {  	[simem:s6], [sflag:s4] =	dma.local [hbm:s3], $0xF7A  }
0x26: {  	[smem:$0x3F9D] =	sst s1;
	(tag) =	ssettag s2;
	_ =	strace s9  }
0x27: {  	s1 =	sld [smem:$0x3FAD]  }
0x28: {  	s2 =	sld [smem:$0x3FAE]  }
0x29: {  	s4 =	sld [smem:$0x3FB0]  }
0x2a: {  	p0 =	seq.s32 s5, $0x0;
	s5 =	sld [smem:$0x3FB1]  }
0x2b: {  	s6 =	sld [smem:$0x3FB2]  }
0x2c: {  	s7 =	sld [smem:$0x3FB3]  }
0x2d: {  	s3 =	simm.s32 $0x108;
	s8 =	sld [smem:$0x3FB4]  }
0x2e: {  	s3 =	simm.s32 @!p0 $0x1082;
	s9 =	sld [smem:$0x3FB5]  }
0x2f: {  	lr =	sadd.s32 s0, s3;
	s0 =	sld [smem:$0x3FAC]  }
0x30: {  	s3 =	sld [smem:$0x3FAF]  }
0x31: {  	[smem:$0x3FB8] =	sst s10  }
0x32: {  	s10 =	sld [smem:$0x3FB6];
	_ =	sdelay $0x3  }
0x33: {  	p0 =	seq.s32 s10, $0x1;
	s10 =	sld [smem:$0x3FB8];
	_ =	sdelay $0x3  }
0x34: {  	[smem:$0x3FB8] =	sst s10  }
0x35: {  	s10 =	sld [smem:$0x3FB7];
	_ =	sdelay $0x3  }
0x36: {  	p1 =	seq.s32 s10, $0x1;
	s10 =	sld [smem:$0x3FB8];
	_ =	sdelay $0x3  }
0x37: {  	[smem:$0x3FB8] =	sst s10  }
0x38: {  	s10 =	sld [smem:$0x3FB9]  }
0x39: {  	_ = 	snop;
	(pc) =	sbr.ind lr, $3  }
0x3a: {  	_ = 	snop  }
0x3b: {  	_ = 	snop  }
0x3c: {  	p2 =	seq.s32 s10, $0x1;
	s10 =	sld [smem:$0x3FB8]  }
0x3d: {  	_ =	shalt  }
0x3e: {  	_ =	shalt  }
0x3f: {  	_ =	shalt  }
0x40: {  	_ =	shalt  }
0x41: {  	_ =	shalt  }
0x42: {  	_ =	shalt  }
0x43: {  	_ =	shalt  }
0x44: {  	_ =	shalt  }
0x45: {  	_ =	shalt  }
0x46: {  	_ =	shalt  }
0x47: {  	_ =	shalt  }
0x48: {  	_ =	shalt  }
0x49: {  	_ =	shalt  }
0x4a: {  	_ =	shalt  }
0x4b: {  	_ =	shalt  }
0x4c: {  	_ =	shalt  }
0x4d: {  	_ =	shalt  }
0x4e: {  	_ =	shalt  }
0x4f: {  	_ =	shalt  }
0x50: {  	_ =	shalt  }
0x51: {  	_ =	shalt  }
0x52: {  	_ =	shalt  }
0x53: {  	_ =	shalt  }
0x54: {  	_ =	shalt  }
0x55: {  	_ =	shalt  }
0x56: {  	_ =	shalt  }
0x57: {  	_ =	shalt  }
0x58: {  	_ =	shalt  }
0x59: {  	_ =	shalt  }
0x5a: {  	_ =	shalt  }
0x5b: {  	_ =	shalt  }
0x5c: {  	_ =	shalt  }
0x5d: {  	_ =	shalt  }
0x5e: {  	_ =	shalt  }
0x5f: {  	_ =	shalt  }
0x60: {  	_ =	shalt  }
0x61: {  	_ =	shalt  }
0x62: {  	_ =	shalt  }
0x63: {  	_ =	shalt  }
0x64: {  	_ =	shalt  }
0x65: {  	_ =	shalt  }
0x66: {  	_ =	shalt  }
0x67: {  	_ =	shalt  }
0x68: {  	_ =	shalt  }
0x69: {  	_ =	shalt  }
0x6a: {  	_ =	shalt  }
0x6b: {  	_ =	shalt  }
0x6c: {  	_ =	shalt  }
0x6d: {  	_ =	shalt  }
0x6e: {  	_ =	shalt  }
0x6f: {  	_ =	shalt  }
0x70: {  	_ =	shalt  }
0x71: {  	_ =	shalt  }
0x72: {  	_ =	shalt  }
0x73: {  	_ =	shalt  }
0x74: {  	_ =	shalt  }
0x75: {  	_ =	shalt  }
0x76: {  	_ =	shalt  }
0x77: {  	_ =	shalt  }
0x78: {  	_ =	shalt  }
0x79: {  	_ =	shalt  }
0x7a: {  	_ =	shalt  }
0x7b: {  	_ =	shalt  }
0x7c: {  	_ =	shalt  }
0x7d: {  	_ =	shalt  }
0x7e: {  	_ =	shalt  }
0x7f: {  	_ =	shalt  }
0x80: {  	_ =	shalt  }
0x81: {  	_ =	shalt  }
0x82: {  	_ =	shalt  }
0x83: {  	_ =	shalt  }
0x84: {  	_ =	shalt  }
0x85: {  	_ =	shalt  }
0x86: {  	_ =	shalt  }
0x87: {  	_ =	shalt  }
.Lfunc_end0:
.L_simem_size_0:
called_computation_lowered:
.L_overlay_start_0:
0x88: {  	s2 =	sld [smem:$0x3FD9]  }
0x89: {  	s3 =	sld [smem:$0x3FFE];
	_ =	sdelay $0x1  }
0x8a: {  	s1 =	srdreg.scid  }
0x8b: {  	s0 =	sand.u32 $0x1, s1  }
0x8c: {  	s17 =	sshll.u32 s0, $0xA;
	s2 =	sadd.s32 s3, s2  }
0x8d: {  	s2 =	sadd.s32 s2, s17  }
0x8e: {  	[smem:$0x3FC4] =	sst s2  }
0x8f: {  	_ = 	snop  }
0x90: {  	s2 =	sld [smem:$0x3FD0];
	(tm) =	ssettm $0x1  }
0x91: {  	s18 =	sld [smem:$0x3FFB];
	_ =	sdelay $0x3  }
0x92: {  	_ =	strace s18  }
0x93: {  	s3 =	sld [smem:$0x3FFC];
	_ =	sdelay $0x3  }
0x94: {  	_ =	strace s3  }
0x95: {  	s3 =	sld [smem:$0x3FFD];
	_ =	sdelay $0x3  }
0x96: {  	_ =	strace s3  }
0x97: {  	_ =	strace $0x8FFFFFFF  }
0x98: {  	s19 =	sld [smem:$0x3FDB];
	_ =	sdelay $0x1  }
0x99: {  	s4 =	simm.s32 $_scs_section_size  }
0x9a: {  	s5 =	simm.s32 $_size__tile_overlayer_lowered;
	s6 =	simm.s32 $_tile_overlayer_lowered  }
0x9b: {  	s22 =	simm.s32 $0x1BFF;
	s21 =	sshll.u32 s6, $0x1;
	s3 =	sadd.s32 s4, s19  }
0x9c: {  	s7 =	simm.s32 $0x0;
	s20 =	sshll.u32 s5, $0x1;
	s5 =	sadd.s32 s21, s3  }
0x9d: {  	[timem:s7], [sflag:s22] =	dma.local [hbm:s5], s20  }
0x9e: {  	_ =	swait.ge [sflag:s22], s20  }
0x9f: {  	s4 =	ssub.s32 $0x0, s20;
	[sflag:s22] =	ssyncset.done $0x0  }
0xa0: {  	[sflag:s22] =	ssyncadd.s32 s4;
	_ =	sdelay $0x1  }
0xa1: {  	s23 =	simm.s32 $0x1B8B  }
0xa2: {  	_ =	swait.ge [sflag:s23], $0x1  }
0xa3: {  	[sflag:s23] =	ssyncset.done $0x0  }
0xa4: {  	s25 =	simm.s32 $0x1B8E;
	s24 =	sld [smem:$0x3FFE];
	[sflag:s23] =	ssyncadd.s32 $0xFFFFFFFF  }
0xa5: {  	s26 =	simm.s32 $execute0_lowered;
	[smem:$0x3FD2] =	sst s25  }
0xa6: {  	s5 =	sshll.u32 s26, $0x1;
	_ =	strace $0x80000046;
	[dreg:$0x1] =	wrdreg $0xFFFFFFFF  }
0xa7: {  	s28 =	simm.s32 $_size_execute0_lowered;
	s3 =	sadd.s32 s3, s5;
	[dreg:$0x0] =	wrdreg $0x0  }
0xa8: {  	s5 =	sshll.u32 s28, $0x1;
	[dreg:$0x2] =	wrdreg s3  }
0xa9: {  	[dreg:$0x3] =	wrdreg s5  }
0xaa: {  	[dreg:$0x4] =	wrdreg $0xC0  }
0xab: {  	_ =	task [dreg:s7], $0x5FFFF  }
0xac: {  	[dreg:$0x1] =	wrdreg $0xFFFFFFFF  }
0xad: {  	[dreg:$0x0] =	wrdreg $0x60  }
0xae: {  	[dreg:$0x2] =	wrdreg s24  }
0xaf: {  	[dreg:$0x3] =	wrdreg s2  }
0xb0: {  	[dreg:$0x4] =	wrdreg $0x42800  }
0xb1: {  	[dreg:$0x5] =	wrdreg $0x9  }
0xb2: {  	_ =	task.clear_ibuf [dreg:s7], $0x6FFFF;
	_ =	strace $0x90000046  }
0xb3: {  	s29 =	simm.s32 $0x9;
	_ =	strace $0x80000048  }
0xb4: {  	_ =	swait.ge [sflag:s29], $0x1  }
0xb5: {  	[sflag:s29] =	ssyncadd.s32 $0xFFFFFFFF  }
0xb6: {  	_ =	strace $0x90000048  }
0xb7: {  	_ =	sfence  }
0xb8: {  	s30 =	sld [smem:$0x0];
	_ =	sdelay $0x2  }
0xb9: {  	s31 =	sshll.u32 s1, $0xD;
	s1 =	sshrl.u32 s1, $0x2  }
0xba: {  	s3 =	sand.u32 $0x4000, s31;
	s1 =	sadd.s32 s1, s30  }
0xbb: {  	s0 =	sor.u32 s3, s0;
	s1 =	sshll.u32 s1, $0x11  }
0xbc: {  	s0 =	sor.u32 s1, s0  }
0xbd: {  	s0 =	sadd.s32 $0x8F2B, s0  }
0xbe: {  	[sflag:s0] =	ssyncadd.remote.s32 $0x1  }
0xbf: {  	_ =	sfence.sel $0xFFFF  }
0xc0: {  	[dreg:$0x0] =	wrdreg $0xFFFFFFFF;
	(pc) =	sbr.abs _section_cstart, $3  }
0xc1: {  	[dreg:$0x1] =	wrdreg $0xFFFFFFFF  }
0xc2: {  	_ =	task.clear_ibuf [dreg:s7], $0x2FFFF;
	_ =	strace $0x9FFFFFFF  }
0xc3: {  	(tm) =	ssettm $0x7FFFFFFF  }
tec
execute0_lowered:
.L_overlay_start_1:
0x0: {  	(tag) =	ssettag $0x1  }
0x1: {  	s0 =	rddreg [dreg:$0x0]  }
0x2: {  	s1 =	rddreg [dreg:$0x1]  }
0x3: {  	s2 =	rddreg [dreg:$0x2]  }
0x4: {  	s3 =	simm.s32 $0x0;
	s4 =	srdreg.scid;
	s12 =	stileid.u32  }
0x5: {  	s28 =	simm.s32 $0x1;
	s29 =	simm.s32 $0x2;
	s30 =	simm.s32 $0x3  }
0x6: {  	s31 =	simm.s32 $0x4;
	[smem:$0x7FF] =	sst s3;
	s6 =	smul.u32 $0x4E000, s12  }
0x7: {  	s5 =	sand.u32 $0x1, s4;
	s4 =	sadd.s32 $0x2600, s0;
	s9 =	smul.u32 $0x4E20, s12  }
0x8: {  	s8 =	sadd.s32 $0x16000, s0;
	s0 =	sadd.s32 $0x16800, s0;
	s11 =	smul.u32 $0x13800, s12  }
0x9: {  	s19 =	sadd.s32 $0x138000, s2;
	p0 =	sne.s32 s12, $0xF;
	_ =	strace $0x80000047  }
0xa: {  	s7 =	smul.u32 $0x4E200, s5;
	[dreg:$0x4] =	wrdreg s8;
	s16 =	ssub.s32 $0x2, s5  }
0xb: {  	s5 =	smul.u32 $0x138800, s5;
	[dreg:$0x7] =	wrdreg s19;
	s10 =	sshrl.u32 s16, $0x1  }
0xc: {  	s6 =	sshrl.u32 s6, $0x2;
	s17 =	sshrl.u32 s11, $0x3;
	s10 =	ssub.s32 s16, s10  }
0xd: {  	s7 =	sadd.s32 s9, s7;
	s6 =	sadd.s32 s6, s2;
	s22 =	sadd.s32 s11, s5  }
0xe: {  	s5 =	sshrl.u32 s5, $0x3;
	[dreg:$0x5] =	wrdreg s6;
	s18 =	sshrl.u32 s7, $0x3  }
0xf: {  	s6 =	sadd.s32 s1, s17;
	s1 =	sadd.s32 $0x27000, s1;
	s5 =	sadd.s32 s0, s5  }
0x10: {  	s17 =	smax.u32 s10, $0x1;
	s23 =	sadd.s32 $0x380, s7;
	s24 =	sadd.s32 $0x300, s7  }
0x11: {  	s25 =	sadd.s32 $0x280, s7;
	[dreg:$0x6] =	wrdreg s6;
	s8 =	sadd.s32 s4, s18  }
0x12: {  	[dreg:$0x8] =	wrdreg s1;
	s1 =	sshrl.u32 s22, $0x3;
	s16 =	sadd.s32 $0x27000, s5  }
0x13: {  	s26 =	sshrl.u32 s25, $0x3;
	s22 =	simm.s32 $0x280;
	s25 =	simm.s32 $0x100  }
0x14: {  	s20 =	sadd.s32 $0x10, s8;
	s21 =	sadd.s32 $0x20, s8;
	s13 =	sadd.s32 $0x30, s8  }
0x15: {  	s14 =	sadd.s32 $0x9C0, s8;
	s15 =	sadd.s32 s0, s1;
	s0 =	sshrl.u32 s23, $0x3  }
0x16: {  	s1 =	sshrl.u32 s24, $0x3;
	s23 =	simm.s32 $0x5;
	[dreg:$0x9] =	wrdreg s20  }
0x17: {  	s24 =	simm.s32 $0x80;
	[dreg:$0xa] =	wrdreg s21;
	s18 =	sadd.s32 s0, s4  }
0x18: {  	s19 =	sadd.s32 s1, s4;
	s20 =	sadd.s32 s26, s4;
	s21 =	sadd.s32 $0x200, s7  }
0x19: {  	s26 =	simm.s32 $0x180;
	s0 =	simm.s32 $0x200;
	s1 =	simm.s32 $0x0  }
.LBB2_1:
0x1a: {  	s5 =	rddreg [dreg:$0x4];
	s10 =	stileid.u32  }
0x1b: {  	[tilespmem:s22], [sflag:$0x5] =	stream.linear.gather [hbm4b:s5+s3], $0x4000, $0x38;
	[tilespmem:$0x17B00] =	vst v63  }
0x1c: {  	s5 =	sshll.u32 s10, $0x6;
	_ =	swait.ge [sflag:s23], $0x4000  }
0x1d: {  	s5 =	sor.u32 $0x1C05, s5;
	[sflag:s23] =	ssyncset.done $0x0;
	s6 =	rddreg [dreg:$0x5]  }
0x1e: {  	s7 =	rddreg [dreg:$0x6];
	[sflag:s23] =	ssyncadd.s32 $0xFFFFC000;
	s6 =	sshrl.u32 s6, $0x3  }
0x1f: {  	[spmem:s6], [sflag:s5] =	dma.local [hbm:s7], $0x2700  }
0x20: {  	_ =	swait.ge [sflag:s23], $0x2700  }
0x21: {  	[sflag:s23] =	ssyncset.done $0x0;
	s7 =	rddreg [dreg:$0x7]  }
0x22: {  	s9 =	rddreg [dreg:$0x8];
	[sflag:s23] =	ssyncadd.s32 $0xFFFFD900;
	s7 =	sshrl.u32 @!p0 s7, $0x3  }
0x23: {  	[spmem:s7], [sflag:s5] =	dma.local @!p0 [hbm:s9], $0x100  }
0x24: {  	s9 =	simm.s32 @!p0 $0x5  }
0x25: {  	_ =	swait.ge @!p0 [sflag:s9], $0x100  }
0x26: {  	[sflag:s9] =	ssyncset.done @!p0 $0x0  }
0x27: {  	[sflag:s9] =	ssyncadd.s32 @!p0 $0xFFFFFF00  }
0x28: {  	[bflag:$0x0] =	sbarrier.arrive $0xFFFF  }
0x29: {  	[tilespmem:s3], [sflag:$0x1] =	stream.linear.gather [hbm4b:s8+s3], $0x80, $0x38;
	[tilespmem:$0x17B00] =	vst v63  }
0x2a: {  	s11 =	rddreg [dreg:$0x9]  }
0x2b: {  	[tilespmem:s24], [sflag:$0x2] =	stream.linear.gather [hbm4b:s11+s3], $0x80, $0x38;
	[tilespmem:$0x17B00] =	vst v63  }
0x2c: {  	s12 =	rddreg [dreg:$0xa]  }
0x2d: {  	[tilespmem:s25], [sflag:$0x3] =	stream.linear.gather [hbm4b:s12+s3], $0x80, $0x38;
	[tilespmem:$0x17B00] =	vst v63  }
0x2e: {  	_ = 	snop  }
0x2f: {  	[tilespmem:s26], [sflag:$0x4] =	stream.linear.gather [hbm4b:s13+s3], $0x80, $0x38;
	[tilespmem:$0x17B00] =	vst v63  }
0x30: {  	_ =	swait.ge [sflag:s28], $0x80  }
0x31: {  	[sflag:s28] =	ssyncset.done $0x0  }
0x32: {  	[sflag:s28] =	ssyncadd.s32 $0xFFFFFF80  }
0x33: {  	[spmem:s2] =	stream.indirect.scatter.add.f32 [tilespmem:s22], [sflag:$0x5], $0x80, s3, s24, $0xb8;
	[tilespmem:$0x17B00] =	vst v63  }
0x34: {  	_ =	swait.ge [sflag:s23], $0x4000  }
0x35: {  	s10 =	sshrl.u32 s21, $0x3;
	[sflag:s23] =	ssyncset.done $0x0  }
0x36: {  	s9 =	sadd.s32 s4, s10;
	[sflag:s23] =	ssyncadd.s32 $0xFFFFC000  }
0x37: {  	[tilespmem:s3], [sflag:$0x1] =	stream.linear.gather [hbm4b:s9+s3], $0x80, $0x38;
	[tilespmem:$0x17B00] =	vst v63  }
0x38: {  	_ =	swait.ge [sflag:s29], $0x80  }
0x39: {  	[sflag:s29] =	ssyncset.done $0x0  }
0x3a: {  	[sflag:s29] =	ssyncadd.s32 $0xFFFFFF80  }
0x3b: {  	[spmem:s2] =	stream.indirect.scatter.add.f32 [tilespmem:s22], [sflag:$0x5], $0x80, s24, s24, $0xb8;
	[tilespmem:$0x17B00] =	vst v63  }
0x3c: {  	_ =	swait.ge [sflag:s23], $0x4000  }
0x3d: {  	[sflag:s23] =	ssyncset.done $0x0  }
0x3e: {  	s11 =	sadd.s32 $0x0, s20;
	[sflag:s23] =	ssyncadd.s32 $0xFFFFC000  }
0x3f: {  	[tilespmem:s24], [sflag:$0x2] =	stream.linear.gather [hbm4b:s11+s3], $0x80, $0x38;
	[tilespmem:$0x17B00] =	vst v63  }
0x40: {  	_ =	swait.ge [sflag:s30], $0x80  }
0x41: {  	[sflag:s30] =	ssyncset.done $0x0  }
0x42: {  	[sflag:s30] =	ssyncadd.s32 $0xFFFFFF80  }
0x43: {  	[spmem:s2] =	stream.indirect.scatter.add.f32 [tilespmem:s22], [sflag:$0x5], $0x80, s25, s24, $0xb8;
	[tilespmem:$0x17B00] =	vst v63  }
0x44: {  	_ =	swait.ge [sflag:s23], $0x4000  }
0x45: {  	[sflag:s23] =	ssyncset.done $0x0  }
0x46: {  	s12 =	sadd.s32 $0x0, s19;
	[sflag:s23] =	ssyncadd.s32 $0xFFFFC000  }
0x47: {  	[tilespmem:s25], [sflag:$0x3] =	stream.linear.gather [hbm4b:s12+s3], $0x80, $0x38;
	[tilespmem:$0x17B00] =	vst v63  }
0x48: {  	_ =	swait.ge [sflag:s31], $0x80  }
0x49: {  	[sflag:s31] =	ssyncset.done $0x0  }
0x4a: {  	[sflag:s31] =	ssyncadd.s32 $0xFFFFFF80  }
0x4b: {  	[spmem:s2] =	stream.indirect.scatter.add.f32 [tilespmem:s22], [sflag:$0x5], $0x80, s26, s24, $0xb8;
	[tilespmem:$0x17B00] =	vst v63  }
0x4c: {  	_ =	swait.ge [sflag:s23], $0x4000  }
0x4d: {  	s10 =	sadd.s32 $0x200, s21;
	[sflag:s23] =	ssyncset.done $0x0  }
0x4e: {  	s9 =	simm.s32 $0x40;
	s11 =	sadd.s32 $0x0, s18;
	[sflag:s23] =	ssyncadd.s32 $0xFFFFC000  }
.LBB2_2:
0x4f: {  	[tilespmem:s26], [sflag:$0x4] =	stream.linear.gather [hbm4b:s11+s3], $0x80, $0x38;
	[tilespmem:$0x17B00] =	vst v63  }
0x50: {  	s11 =	smov.u32 s9  }
0x51: {  	p1 =	sne.s32 s9, $0x940;
	s9 =	sadd.s32 $0x40, s9;
	_ =	swait.ge [sflag:s28], $0x80  }
0x52: {  	[sflag:s28] =	ssyncset.done $0x0  }
0x53: {  	[sflag:s28] =	ssyncadd.s32 $0xFFFFFF80  }
0x54: {  	[spmem:s2] =	stream.indirect.scatter.add.f32 [tilespmem:s22], [sflag:$0x5], $0x80, s3, s24, $0xb8;
	[tilespmem:$0x17B00] =	vst v63  }
0x55: {  	_ =	swait.ge [sflag:s23], $0x4000  }
0x56: {  	s12 =	sshrl.u32 s10, $0x3;
	[sflag:s23] =	ssyncset.done $0x0  }
0x57: {  	s12 =	sadd.s32 s4, s12;
	[sflag:s23] =	ssyncadd.s32 $0xFFFFC000  }
0x58: {  	[tilespmem:s3], [sflag:$0x1] =	stream.linear.gather [hbm4b:s12+s3], $0x80, $0x38;
	[tilespmem:$0x17B00] =	vst v63  }
0x59: {  	_ =	swait.ge [sflag:s29], $0x80  }
0x5a: {  	[sflag:s29] =	ssyncset.done $0x0  }
0x5b: {  	[sflag:s29] =	ssyncadd.s32 $0xFFFFFF80  }
0x5c: {  	[spmem:s2] =	stream.indirect.scatter.add.f32 [tilespmem:s22], [sflag:$0x5], $0x80, s24, s24, $0xb8;
	[tilespmem:$0x17B00] =	vst v63  }
0x5d: {  	_ =	swait.ge [sflag:s23], $0x4000  }
0x5e: {  	[sflag:s23] =	ssyncset.done $0x0  }
0x5f: {  	s12 =	sadd.s32 s11, s20;
	[sflag:s23] =	ssyncadd.s32 $0xFFFFC000  }
0x60: {  	[tilespmem:s24], [sflag:$0x2] =	stream.linear.gather [hbm4b:s12+s3], $0x80, $0x38;
	[tilespmem:$0x17B00] =	vst v63  }
0x61: {  	_ =	swait.ge [sflag:s30], $0x80  }
0x62: {  	[sflag:s30] =	ssyncset.done $0x0  }
0x63: {  	[sflag:s30] =	ssyncadd.s32 $0xFFFFFF80  }
0x64: {  	[spmem:s2] =	stream.indirect.scatter.add.f32 [tilespmem:s22], [sflag:$0x5], $0x80, s25, s24, $0xb8;
	[tilespmem:$0x17B00] =	vst v63  }
0x65: {  	_ =	swait.ge [sflag:s23], $0x4000  }
0x66: {  	[sflag:s23] =	ssyncset.done $0x0  }
0x67: {  	s12 =	sadd.s32 s11, s19;
	[sflag:s23] =	ssyncadd.s32 $0xFFFFC000  }
0x68: {  	[tilespmem:s25], [sflag:$0x3] =	stream.linear.gather [hbm4b:s12+s3], $0x80, $0x38;
	[tilespmem:$0x17B00] =	vst v63  }
0x69: {  	_ =	swait.ge [sflag:s31], $0x80  }
0x6a: {  	[sflag:s31] =	ssyncset.done $0x0  }
.Ltmp0:
0x6b: {  	[sflag:s31] =	ssyncadd.s32 $0xFFFFFF80;
	(pc) =	sbr.rel @p1 .LBB2_2-.Ltmp0, $4  }
0x6c: {  	[spmem:s2] =	stream.indirect.scatter.add.f32 [tilespmem:s22], [sflag:$0x5], $0x80, s26, s24, $0xb8;
	[tilespmem:$0x17B00] =	vst v63  }
0x6d: {  	_ =	swait.ge [sflag:s23], $0x4000  }
0x6e: {  	[sflag:s23] =	ssyncset.done $0x0  }
0x6f: {  	s10 =	sadd.s32 $0x200, s10;
	s11 =	sadd.s32 s11, s18;
	[sflag:s23] =	ssyncadd.s32 $0xFFFFC000  }
0x70: {  	[tilespmem:s26], [sflag:$0x4] =	stream.linear.gather [hbm4b:s11+s3], $0x80, $0x38;
	[tilespmem:$0x17B00] =	vst v63  }
0x71: {  	_ =	swait.ge [sflag:s28], $0x80  }
0x72: {  	[sflag:s28] =	ssyncset.done $0x0  }
0x73: {  	[sflag:s28] =	ssyncadd.s32 $0xFFFFFF80  }
0x74: {  	[spmem:s2] =	stream.indirect.scatter.add.f32 [tilespmem:s22], [sflag:$0x5], $0x80, s3, s24, $0xb8;
	[tilespmem:$0x17B00] =	vst v63  }
0x75: {  	_ =	swait.ge [sflag:s23], $0x4000  }
0x76: {  	[sflag:s23] =	ssyncset.done $0x0  }
0x77: {  	[sflag:s23] =	ssyncadd.s32 $0xFFFFC000  }
0x78: {  	_ =	swait.ge [sflag:s29], $0x80  }
0x79: {  	[sflag:s29] =	ssyncset.done $0x0  }
0x7a: {  	[sflag:s29] =	ssyncadd.s32 $0xFFFFFF80  }
0x7b: {  	[spmem:s2] =	stream.indirect.scatter.add.f32 [tilespmem:s22], [sflag:$0x5], $0x80, s24, s24, $0xb8;
	[tilespmem:$0x17B00] =	vst v63  }
0x7c: {  	_ =	swait.ge [sflag:s23], $0x4000  }
0x7d: {  	[sflag:s23] =	ssyncset.done $0x0  }
0x7e: {  	[sflag:s23] =	ssyncadd.s32 $0xFFFFC000  }
0x7f: {  	_ =	swait.ge [sflag:s30], $0x80  }
0x80: {  	[sflag:s30] =	ssyncset.done $0x0  }
0x81: {  	[sflag:s30] =	ssyncadd.s32 $0xFFFFFF80  }
0x82: {  	[spmem:s2] =	stream.indirect.scatter.add.f32 [tilespmem:s22], [sflag:$0x5], $0x80, s25, s24, $0xb8;
	[tilespmem:$0x17B00] =	vst v63  }
0x83: {  	_ =	swait.ge [sflag:s23], $0x4000  }
0x84: {  	[sflag:s23] =	ssyncset.done $0x0  }
0x85: {  	[sflag:s23] =	ssyncadd.s32 $0xFFFFC000  }
0x86: {  	_ =	swait.ge [sflag:s31], $0x80  }
0x87: {  	[sflag:s31] =	ssyncset.done $0x0  }
0x88: {  	[sflag:s31] =	ssyncadd.s32 $0xFFFFFF80  }
0x89: {  	[spmem:s2] =	stream.indirect.scatter.add.f32 [tilespmem:s22], [sflag:$0x5], $0x80, s26, s24, $0xb8;
	[tilespmem:$0x17B00] =	vst v63  }
0x8a: {  	_ =	swait.ge [sflag:s23], $0x4000  }
0x8b: {  	[sflag:s23] =	ssyncset.done $0x0  }
0x8c: {  	[sflag:s23] =	ssyncadd.s32 $0xFFFFC000  }
0x8d: {  	[tilespmem:s0], [sflag:$0x5] =	stream.linear.gather [hbm4b:s14+s3], $0x20, $0x38;
	[tilespmem:$0x17B00] =	vst v63  }
0x8e: {  	_ =	swait.ge [sflag:s23], $0x20  }
0x8f: {  	[sflag:s23] =	ssyncset.done $0x0  }
0x90: {  	s9 =	simm.s32 $0x20;
	[sflag:s23] =	ssyncadd.s32 $0xFFFFFFE0  }
0x91: {  	[spmem:s2] =	stream.indirect.scatter.add.f32 [tilespmem:s22], [sflag:$0x5], $0x80, s0, s9, $0xb8;
	[tilespmem:$0x17B00] =	vst v63  }
0x92: {  	_ =	swait.ge [sflag:s23], $0x1000  }
0x93: {  	[sflag:s23] =	ssyncset.done $0x0  }
0x94: {  	[sflag:s23] =	ssyncadd.s32 $0xFFFFF000  }
0x95: {  	[bflag:$0x0] =	sbarrier.arrive $0xFFFF  }
0x96: {  	[hbm:s15], [sflag:s5] =	dma.local [spmem:s6], $0x2700  }
0x97: {  	_ =	swait.ge [sflag:s23], $0x2700  }
0x98: {  	s1 =	sadd.s32 $0x1, s1;
	[sflag:s23] =	ssyncset.done $0x0  }
0x99: {  	p1 =	sne.s32 s1, s17;
	[sflag:s23] =	ssyncadd.s32 $0xFFFFD900  }
0x9a: {  	[hbm:s16], [sflag:s5] =	dma.local @!p0 [spmem:s7], $0x100  }
.Ltmp1:
0x9b: {  	_ = 	snop;
	(pc) =	sbr.rel @p1 .LBB2_1-.Ltmp1, $4  }
0x9c: {  	s5 =	simm.s32 @!p0 $0x5  }
0x9d: {  	_ =	swait.ge @!p0 [sflag:s5], $0x100  }
0x9e: {  	[sflag:s5] =	ssyncset.done @!p0 $0x0  }
0x9f: {  	[sflag:s5] =	ssyncadd.s32 @!p0 $0xFFFFFF00  }
0xa0: {  	_ =	sfence.sel $0x180000  }
0xa1: {  	[bflag:$0x0] =	sbarrier.arrive $0xFFFF  }
0xa2: {  	_ =	strace $0x90000047  }
0xa3: {  	s0 =	stileid.u32;
	[bflag:$0x2] =	sbarrier.arrive $0xFFFF  }
0xa4: {  	p0 =	sne.s32 s0, $0x0;
	s0 =	rddreg [dreg:$0x3]  }
0xa5: {  	s0 =	sadd.s32 @!p0 $0x100000, s0  }
0xa6: {  	[sflag:s0] =	ssyncadd.tile.s32 @!p0 $0x1;
	_ =	shalt  }
.Lfunc_end2:
_tile_overlayer_lowered:
.L_overlay_start_2:
0xa7: {  	(tag) =	ssettag $0x2  }
0xa8: {  	s0 =	rddreg [dreg:$0x0];
	s2 =	stileid.u32  }
0xa9: {  	s1 =	rddreg [dreg:$0x1];
	p0 =	sne.s32 s2, $0x0  }
0xaa: {  	s3 =	rddreg [dreg:$0x2];
	[bflag:$0x3] =	sbarrier.arrive $0xFFFF;
	s2 =	simm.s32 @!p0 $0x1C05  }
0xab: {  	[timem:s3], [sflag:s2] =	dma.local @!p0 [hbm:s0], s1  }
0xac: {  	s0 =	simm.s32 @!p0 $0x5  }
0xad: {  	_ =	swait.ge @!p0 [sflag:s0], s1  }
0xae: {  	s1 =	ssub.s32 @!p0 $0x0, s1;
	[sflag:s0] =	ssyncset.done @!p0 $0x0  }
0xaf: {  	[sflag:s0] =	ssyncadd.s32 @!p0 s1  }
0xb0: {  	[bflag:$0x3] =	sbarrier.arrive $0xFFFF  }
0xb1: {  	_ =	shalt  }

// kernel: kernel.9.cloned.1.call-start
scs
__scs_entry_jumppad:
0x0: {  	(pc) =	sbr.rel $0x88, $3  }
0x1: {  	(tag) =	ssettag $0x0;
	lr =	simm.s32 $0x1  }
0x2: {  	[smem:$0x3F9D] =	sst lr;
	_ =	strace $0xD0000000  }
0x3: {  	_ = 	snop  }
0x4: {  	_ = 	snop  }
0x5: {  	_ = 	snop  }
0x6: {  	_ = 	snop  }
0x7: {  	_ = 	snop  }
__scs_overlays_trampoline_lowered:
0x8: {  	[smem:$0x3FAC] =	sst s0  }
0x9: {  	[smem:$0x3FAD] =	sst s1  }
0xa: {  	[smem:$0x3FAE] =	sst s2  }
0xb: {  	[smem:$0x3FAF] =	sst s3  }
0xc: {  	[smem:$0x3FB0] =	sst s4  }
0xd: {  	[smem:$0x3FB1] =	sst s5  }
0xe: {  	[smem:$0x3FB2] =	sst s6  }
0xf: {  	[smem:$0x3FB3] =	sst s7  }
0x10: {  	[smem:$0x3FB4] =	sst s8  }
0x11: {  	[smem:$0x3FB5] =	sst s9;
	s0 =	simm.s32 @!p0 $0x0  }
0x12: {  	s1 =	sld [smem:$0x3F9B];
	s0 =	simm.s32 @p0 $0x1  }
0x13: {  	[smem:$0x3FB6] =	sst s0;
	s0 =	simm.s32 @!p1 $0x0  }
0x14: {  	s2 =	sld [smem:$0x3F9A];
	s0 =	simm.s32 @p1 $0x1  }
0x15: {  	[smem:$0x3FB7] =	sst s0;
	s0 =	simm.s32 @!p2 $0x0  }
0x16: {  	s3 =	sld [smem:$0x3FDB];
	s0 =	simm.s32 @p2 $0x1  }
0x17: {  	s4 =	simm.s32 $0x1BF5;
	[smem:$0x3FB9] =	sst s0  }
0x18: {  	s0 =	sld [smem:$0x3F9C];
	_ =	swait.ge [sflag:s4], $0x0  }
0x19: {  	s7 =	sld [smem:$0x3F9D]  }
0x1a: {  	s8 =	sadd.s32 $0xFFFFE003, lr  }
0x1b: {  	s9 =	sadd.s32 $0xFFFFFEF7, lr;
	s5 =	simm.s32 $0xFFFFFFFF;
	p2 =	slt.u32 s8, $0xFFFFF086  }
0x1c: {  	p1 =	slt.u32 s9, $0xF7A;
	s5 =	simm.s32 @!p2 $0x0  }
0x1d: {  	s5 =	simm.s32 @p1 $0x1;
	p0 =	seq.s32 s7, s2  }
0x1e: {  	s7 =	smul.u32 @!p0 $0xF7A, s2;
	p2 =	seq.s32 @!p0 s5, $0x0  }
0x1f: {  	s9 =	smul.u32 $0xF7A, s1;
	s8 =	simm.s32 @!p0 $0x1BF5;
	p2 =	por !p2, p0  }
0x20: {  	[sflag:s8] =	ssyncset.s32 @!p0 $0xFFFFF086;
	s6 =	sadd.s32 @!p0 s3, s7;
	s7 =	simm.s32 @!p0 $0x108  }
0x21: {  	s3 =	sadd.s32 s3, s9;
	s6 =	sadd.s32 @!p0 $0x88, s6;
	s7 =	simm.s32 @p2 $0x1082  }
0x22: {  	[simem:s7], [sflag:s8] =	dma.local @!p0 [hbm:s6], $0xF7A  }
0x23: {  	s9 =	sor.u32 $0xD0000000, s2;
	s6 =	simm.s32 $0x108;
	_ =	swait.ge @!p0 [sflag:s8], $0x0  }
0x24: {  	s3 =	sadd.s32 $0x88, s3;
	s6 =	simm.s32 @!p1 $0x1082;
	[sflag:s4] =	ssyncset.s32 $0xFFFFF086  }
0x25: {  	[simem:s6], [sflag:s4] =	dma.local [hbm:s3], $0xF7A  }
0x26: {  	[smem:$0x3F9D] =	sst s1;
	(tag) =	ssettag s2;
	_ =	strace s9  }
0x27: {  	s1 =	sld [smem:$0x3FAD]  }
0x28: {  	s2 =	sld [smem:$0x3FAE]  }
0x29: {  	s4 =	sld [smem:$0x3FB0]  }
0x2a: {  	p0 =	seq.s32 s5, $0x0;
	s5 =	sld [smem:$0x3FB1]  }
0x2b: {  	s6 =	sld [smem:$0x3FB2]  }
0x2c: {  	s7 =	sld [smem:$0x3FB3]  }
0x2d: {  	s3 =	simm.s32 $0x108;
	s8 =	sld [smem:$0x3FB4]  }
0x2e: {  	s3 =	simm.s32 @!p0 $0x1082;
	s9 =	sld [smem:$0x3FB5]  }
0x2f: {  	lr =	sadd.s32 s0, s3;
	s0 =	sld [smem:$0x3FAC]  }
0x30: {  	s3 =	sld [smem:$0x3FAF]  }
0x31: {  	[smem:$0x3FB8] =	sst s10  }
0x32: {  	s10 =	sld [smem:$0x3FB6];
	_ =	sdelay $0x3  }
0x33: {  	p0 =	seq.s32 s10, $0x1;
	s10 =	sld [smem:$0x3FB8];
	_ =	sdelay $0x3  }
0x34: {  	[smem:$0x3FB8] =	sst s10  }
0x35: {  	s10 =	sld [smem:$0x3FB7];
	_ =	sdelay $0x3  }
0x36: {  	p1 =	seq.s32 s10, $0x1;
	s10 =	sld [smem:$0x3FB8];
	_ =	sdelay $0x3  }
0x37: {  	[smem:$0x3FB8] =	sst s10  }
0x38: {  	s10 =	sld [smem:$0x3FB9]  }
0x39: {  	_ = 	snop;
	(pc) =	sbr.ind lr, $3  }
0x3a: {  	_ = 	snop  }
0x3b: {  	_ = 	snop  }
0x3c: {  	p2 =	seq.s32 s10, $0x1;
	s10 =	sld [smem:$0x3FB8]  }
0x3d: {  	_ =	shalt  }
0x3e: {  	_ =	shalt  }
0x3f: {  	_ =	shalt  }
0x40: {  	_ =	shalt  }
0x41: {  	_ =	shalt  }
0x42: {  	_ =	shalt  }
0x43: {  	_ =	shalt  }
0x44: {  	_ =	shalt  }
0x45: {  	_ =	shalt  }
0x46: {  	_ =	shalt  }
0x47: {  	_ =	shalt  }
0x48: {  	_ =	shalt  }
0x49: {  	_ =	shalt  }
0x4a: {  	_ =	shalt  }
0x4b: {  	_ =	shalt  }
0x4c: {  	_ =	shalt  }
0x4d: {  	_ =	shalt  }
0x4e: {  	_ =	shalt  }
0x4f: {  	_ =	shalt  }
0x50: {  	_ =	shalt  }
0x51: {  	_ =	shalt  }
0x52: {  	_ =	shalt  }
0x53: {  	_ =	shalt  }
0x54: {  	_ =	shalt  }
0x55: {  	_ =	shalt  }
0x56: {  	_ =	shalt  }
0x57: {  	_ =	shalt  }
0x58: {  	_ =	shalt  }
0x59: {  	_ =	shalt  }
0x5a: {  	_ =	shalt  }
0x5b: {  	_ =	shalt  }
0x5c: {  	_ =	shalt  }
0x5d: {  	_ =	shalt  }
0x5e: {  	_ =	shalt  }
0x5f: {  	_ =	shalt  }
0x60: {  	_ =	shalt  }
0x61: {  	_ =	shalt  }
0x62: {  	_ =	shalt  }
0x63: {  	_ =	shalt  }
0x64: {  	_ =	shalt  }
0x65: {  	_ =	shalt  }
0x66: {  	_ =	shalt  }
0x67: {  	_ =	shalt  }
0x68: {  	_ =	shalt  }
0x69: {  	_ =	shalt  }
0x6a: {  	_ =	shalt  }
0x6b: {  	_ =	shalt  }
0x6c: {  	_ =	shalt  }
0x6d: {  	_ =	shalt  }
0x6e: {  	_ =	shalt  }
0x6f: {  	_ =	shalt  }
0x70: {  	_ =	shalt  }
0x71: {  	_ =	shalt  }
0x72: {  	_ =	shalt  }
0x73: {  	_ =	shalt  }
0x74: {  	_ =	shalt  }
0x75: {  	_ =	shalt  }
0x76: {  	_ =	shalt  }
0x77: {  	_ =	shalt  }
0x78: {  	_ =	shalt  }
0x79: {  	_ =	shalt  }
0x7a: {  	_ =	shalt  }
0x7b: {  	_ =	shalt  }
0x7c: {  	_ =	shalt  }
0x7d: {  	_ =	shalt  }
0x7e: {  	_ =	shalt  }
0x7f: {  	_ =	shalt  }
0x80: {  	_ =	shalt  }
0x81: {  	_ =	shalt  }
0x82: {  	_ =	shalt  }
0x83: {  	_ =	shalt  }
0x84: {  	_ =	shalt  }
0x85: {  	_ =	shalt  }
0x86: {  	_ =	shalt  }
0x87: {  	_ =	shalt  }
.Lfunc_end0:
.L_simem_size_0:
called_computation.1_lowered:
.L_overlay_start_0:
0x88: {  	s2 =	sld [smem:$0x3FD9]  }
0x89: {  	s3 =	sld [smem:$0x3FFE];
	_ =	sdelay $0x1  }
0x8a: {  	s1 =	srdreg.scid  }
0x8b: {  	s0 =	sand.u32 $0x1, s1  }
0x8c: {  	s17 =	sshll.u32 s0, $0xA;
	s2 =	sadd.s32 s3, s2  }
0x8d: {  	s2 =	sadd.s32 s2, s17  }
0x8e: {  	[smem:$0x3FC4] =	sst s2  }
0x8f: {  	_ = 	snop  }
0x90: {  	s2 =	sld [smem:$0x3FD0];
	(tm) =	ssettm $0x1  }
0x91: {  	s18 =	sld [smem:$0x3FFB];
	_ =	sdelay $0x3  }
0x92: {  	_ =	strace s18  }
0x93: {  	s3 =	sld [smem:$0x3FFC];
	_ =	sdelay $0x3  }
0x94: {  	_ =	strace s3  }
0x95: {  	s3 =	sld [smem:$0x3FFD];
	_ =	sdelay $0x3  }
0x96: {  	_ =	strace s3  }
0x97: {  	_ =	strace $0x8FFFFFFF  }
0x98: {  	s19 =	sld [smem:$0x3FDB];
	_ =	sdelay $0x1  }
0x99: {  	s4 =	simm.s32 $_scs_section_size  }
0x9a: {  	s5 =	simm.s32 $_size__tile_overlayer_lowered;
	s6 =	simm.s32 $_tile_overlayer_lowered  }
0x9b: {  	s22 =	simm.s32 $0x1BFF;
	s21 =	sshll.u32 s6, $0x1;
	s3 =	sadd.s32 s4, s19  }
0x9c: {  	s7 =	simm.s32 $0x0;
	s20 =	sshll.u32 s5, $0x1;
	s5 =	sadd.s32 s21, s3  }
0x9d: {  	[timem:s7], [sflag:s22] =	dma.local [hbm:s5], s20  }
0x9e: {  	_ =	swait.ge [sflag:s22], s20  }
0x9f: {  	s4 =	ssub.s32 $0x0, s20;
	[sflag:s22] =	ssyncset.done $0x0  }
0xa0: {  	[sflag:s22] =	ssyncadd.s32 s4;
	_ =	sdelay $0x1  }
0xa1: {  	s23 =	simm.s32 $0x1B8B  }
0xa2: {  	_ =	swait.ge [sflag:s23], $0x1  }
0xa3: {  	[sflag:s23] =	ssyncset.done $0x0  }
0xa4: {  	s25 =	simm.s32 $0x1B8E;
	s24 =	sld [smem:$0x3FFE];
	[sflag:s23] =	ssyncadd.s32 $0xFFFFFFFF  }
0xa5: {  	s26 =	simm.s32 $execute0_lowered;
	[smem:$0x3FD2] =	sst s25  }
0xa6: {  	s5 =	sshll.u32 s26, $0x1;
	_ =	strace $0x80000049;
	[dreg:$0x1] =	wrdreg $0xFFFFFFFF  }
0xa7: {  	s28 =	simm.s32 $_size_execute0_lowered;
	s3 =	sadd.s32 s3, s5;
	[dreg:$0x0] =	wrdreg $0x0  }
0xa8: {  	s5 =	sshll.u32 s28, $0x1;
	[dreg:$0x2] =	wrdreg s3  }
0xa9: {  	[dreg:$0x3] =	wrdreg s5  }
0xaa: {  	[dreg:$0x4] =	wrdreg $0xC0  }
0xab: {  	_ =	task [dreg:s7], $0x5FFFF  }
0xac: {  	[dreg:$0x1] =	wrdreg $0xFFFFFFFF  }
0xad: {  	[dreg:$0x0] =	wrdreg $0x60  }
0xae: {  	[dreg:$0x2] =	wrdreg s2  }
0xaf: {  	[dreg:$0x3] =	wrdreg s24  }
0xb0: {  	[dreg:$0x4] =	wrdreg $0x95000  }
0xb1: {  	[dreg:$0x5] =	wrdreg $0x9  }
0xb2: {  	_ =	task.clear_ibuf [dreg:s7], $0x6FFFF;
	_ =	strace $0x90000049  }
0xb3: {  	s29 =	simm.s32 $0x9;
	_ =	strace $0x8000004B  }
0xb4: {  	_ =	swait.ge [sflag:s29], $0x1  }
0xb5: {  	[sflag:s29] =	ssyncadd.s32 $0xFFFFFFFF  }
0xb6: {  	_ =	strace $0x9000004B  }
0xb7: {  	_ =	sfence  }
0xb8: {  	s30 =	sld [smem:$0x0];
	_ =	sdelay $0x2  }
0xb9: {  	s31 =	sshll.u32 s1, $0xD;
	s1 =	sshrl.u32 s1, $0x2  }
0xba: {  	s3 =	sand.u32 $0x4000, s31;
	s1 =	sadd.s32 s1, s30  }
0xbb: {  	s0 =	sor.u32 s3, s0;
	s1 =	sshll.u32 s1, $0x11  }
0xbc: {  	s0 =	sor.u32 s1, s0  }
0xbd: {  	s0 =	sadd.s32 $0x8F2B, s0  }
0xbe: {  	[sflag:s0] =	ssyncadd.remote.s32 $0x1  }
0xbf: {  	_ =	sfence.sel $0xFFFF  }
0xc0: {  	[dreg:$0x0] =	wrdreg $0xFFFFFFFF;
	(pc) =	sbr.abs _section_cstart, $3  }
0xc1: {  	[dreg:$0x1] =	wrdreg $0xFFFFFFFF  }
0xc2: {  	_ =	task.clear_ibuf [dreg:s7], $0x2FFFF;
	_ =	strace $0x9FFFFFFF  }
0xc3: {  	(tm) =	ssettm $0x7FFFFFFF  }
tec
execute0_lowered:
.L_overlay_start_1:
0x0: {  	(tag) =	ssettag $0x1  }
0x1: {  	s1 =	rddreg [dreg:$0x0]  }
0x2: {  	s0 =	rddreg [dreg:$0x1]  }
0x3: {  	s2 =	rddreg [dreg:$0x2];
	s4 =	simm.s32 $0x0;
	s3 =	srdreg.scid  }
0x4: {  	s14 =	stileid.u32;
	s28 =	simm.s32 $0x200;
	s29 =	simm.s32 $0x80  }
0x5: {  	s30 =	simm.s32 $0x280;
	s31 =	simm.s32 $0x100;
	s7 =	smul.u32 $0x4E000, s14  }
0x6: {  	[smem:$0x7FF] =	sst s4;
	s3 =	sand.u32 $0x1, s3;
	s10 =	smul.u32 $0x2700, s14  }
0x7: {  	s5 =	sadd.s32 $0x64A00, s0;
	s6 =	sadd.s32 $0x2600, s0;
	s16 =	smul.u32 $0x4E20, s14  }
0x8: {  	s0 =	sadd.s32 $0x78400, s0;
	s15 =	sshll.u32 s14, $0x6;
	s20 =	smul.u32 $0x13800, s14  }
0x9: {  	s18 =	sadd.s32 $0x138000, s2;
	p0 =	sne.s32 s14, $0xF;
	s8 =	smul.u32 $0x27100, s3  }
0xa: {  	s14 =	simm.s32 $0x3;
	s9 =	ssub.s32 $0x2, s3;
	s12 =	smul.u32 $0x138800, s3  }
0xb: {  	_ =	strace $0x8000004A;
	s3 =	smul.u32 $0x4E200, s3;
	s11 =	sshrl.u32 s9, $0x1  }
0xc: {  	[dreg:$0xc] =	wrdreg s18;
	s7 =	sshrl.u32 s7, $0x2;
	s11 =	ssub.s32 s9, s11  }
0xd: {  	s7 =	sadd.s32 s7, s2;
	s13 =	sadd.s32 s10, s8;
	s9 =	sor.u32 $0x1C07, s15  }
0xe: {  	s17 =	sshrl.u32 s12, $0x3;
	s3 =	sadd.s32 s16, s3;
	s10 =	sadd.s32 s20, s12  }
0xf: {  	[dreg:$0xa] =	wrdreg s7;
	s7 =	sadd.s32 s1, s13;
	s8 =	sshrl.u32 s3, $0x3  }
0x10: {  	s10 =	sshrl.u32 s10, $0x3;
	[dreg:$0xb] =	wrdreg s7;
	s13 =	sadd.s32 s5, s8  }
0x11: {  	s24 =	sadd.s32 $0x380, s3;
	s21 =	sadd.s32 s6, s8;
	[dreg:$0xe] =	wrdreg s13  }
0x12: {  	s7 =	sadd.s32 $0x27000, s17;
	s10 =	sadd.s32 s0, s10;
	[dreg:$0xf] =	wrdreg s21  }
0x13: {  	s22 =	sadd.s32 $0x10, s8;
	s19 =	sadd.s32 s1, s7;
	[dreg:$0x13] =	wrdreg s10  }
0x14: {  	s23 =	sadd.s32 $0x20, s8;
	s15 =	sadd.s32 s5, s22;
	[dreg:$0xd] =	wrdreg s19  }
0x15: {  	s26 =	sshrl.u32 s24, $0x3;
	s13 =	sadd.s32 s6, s22;
	[dreg:$0x10] =	wrdreg s15  }
0x16: {  	s17 =	sadd.s32 $0x280, s3;
	s25 =	sadd.s32 s5, s23;
	[dreg:$0x11] =	wrdreg s13  }
0x17: {  	s20 =	sadd.s32 $0x30, s8;
	s0 =	sadd.s32 s0, s7;
	[dreg:$0x12] =	wrdreg s25  }
0x18: {  	s24 =	sadd.s32 $0x9C0, s8;
	s7 =	sadd.s32 s26, s6;
	[dreg:$0x14] =	wrdreg s0  }
0x19: {  	s8 =	simm.s32 $0x1;
	s12 =	sadd.s32 s6, s23;
	[dreg:$0x4] =	wrdreg s7  }
0x1a: {  	s22 =	sadd.s32 s5, s20;
	s23 =	sadd.s32 s6, s20;
	[dreg:$0x15] =	wrdreg s12  }
0x1b: {  	s10 =	simm.s32 $0x400;
	s13 =	sadd.s32 $0x300, s3;
	[dreg:$0x16] =	wrdreg s22  }
0x1c: {  	s15 =	sadd.s32 s26, s5;
	s19 =	sshrl.u32 s17, $0x3;
	[dreg:$0x17] =	wrdreg s23  }
0x1d: {  	s25 =	sadd.s32 s5, s24;
	s0 =	sadd.s32 s6, s24;
	[dreg:$0x5] =	wrdreg s15  }
0x1e: {  	s26 =	smax.u32 s11, $0x1;
	s11 =	simm.s32 $0x2;
	[dreg:$0x18] =	wrdreg s25  }
0x1f: {  	s12 =	simm.s32 $0x4400;
	s7 =	sshrl.u32 s13, $0x3;
	[dreg:$0x19] =	wrdreg s0  }
0x20: {  	s21 =	sadd.s32 s19, s6;
	[dreg:$0x1a] =	wrdreg s26;
	s25 =	sadd.s32 $0x200, s3  }
0x21: {  	s26 =	simm.s32 $0x7;
	s0 =	simm.s32 $0x300;
	s3 =	simm.s32 $0x180  }
0x22: {  	s13 =	simm.s32 $0x5;
	s16 =	sadd.s32 s7, s6;
	[dreg:$0x8] =	wrdreg s21  }
0x23: {  	s15 =	simm.s32 $0x6;
	s18 =	sadd.s32 s7, s5;
	[dreg:$0x6] =	wrdreg s16  }
0x24: {  	s7 =	sadd.s32 s19, s5;
	s21 =	simm.s32 $0x0;
	[dreg:$0x7] =	wrdreg s18  }
0x25: {  	[dreg:$0x9] =	wrdreg s7;
	s7 =	simm.s32 $0x380;
	s16 =	simm.s32 $0x4  }
.LBB2_1:
0x26: {  	s17 =	rddreg [dreg:$0xa]  }
0x27: {  	s18 =	rddreg [dreg:$0xb];
	s22 =	sshrl.u32 s17, $0x3  }
0x28: {  	[spmem:s22], [sflag:s9] =	dma.local [hbm:s18], $0x2700  }
0x29: {  	_ =	swait.ge [sflag:s26], $0x2700  }
0x2a: {  	[sflag:s26] =	ssyncset.done $0x0;
	s17 =	rddreg [dreg:$0xc]  }
0x2b: {  	[sflag:s26] =	ssyncadd.s32 $0xFFFFD900;
	s23 =	sshrl.u32 @!p0 s17, $0x3;
	s17 =	rddreg [dreg:$0xd]  }
0x2c: {  	[spmem:s23], [sflag:s9] =	dma.local @!p0 [hbm:s17], $0x100  }
0x2d: {  	s17 =	simm.s32 @!p0 $0x7  }
0x2e: {  	_ =	swait.ge @!p0 [sflag:s17], $0x100  }
0x2f: {  	[sflag:s17] =	ssyncset.done @!p0 $0x0  }
0x30: {  	[sflag:s17] =	ssyncadd.s32 @!p0 $0xFFFFFF00  }
0x31: {  	[bflag:$0x0] =	sbarrier.arrive $0xFFFF  }
0x32: {  	s19 =	rddreg [dreg:$0xe]  }
0x33: {  	[tilespmem:s4], [sflag:$0x1] =	stream.linear.gather [hbm4b:s19+s4], $0x80, $0x38;
	[tilespmem:$0x1CD80] =	vst v63  }
0x34: {  	s20 =	rddreg [dreg:$0xf]  }
0x35: {  	[tilespmem:s28], [sflag:$0x1] =	stream.linear.gather [hbm4b:s20+s4], $0x80, $0x38;
	[tilespmem:$0x1CD80] =	vst v63  }
0x36: {  	s24 =	rddreg [dreg:$0x10]  }
0x37: {  	[tilespmem:s29], [sflag:$0x2] =	stream.linear.gather [hbm4b:s24+s4], $0x80, $0x38;
	[tilespmem:$0x1CD80] =	vst v63  }
0x38: {  	s18 =	rddreg [dreg:$0x11]  }
0x39: {  	[tilespmem:s30], [sflag:$0x2] =	stream.linear.gather [hbm4b:s18+s4], $0x80, $0x38;
	[tilespmem:$0x1CD80] =	vst v63  }
0x3a: {  	s19 =	rddreg [dreg:$0x12]  }
0x3b: {  	[tilespmem:s31], [sflag:$0x3] =	stream.linear.gather [hbm4b:s19+s4], $0x80, $0x38;
	[tilespmem:$0x1CD80] =	vst v63  }
0x3c: {  	s20 =	rddreg [dreg:$0x15]  }
0x3d: {  	[tilespmem:s0], [sflag:$0x3] =	stream.linear.gather [hbm4b:s20+s4], $0x80, $0x38;
	[tilespmem:$0x1CD80] =	vst v63  }
0x3e: {  	s24 =	rddreg [dreg:$0x16]  }
0x3f: {  	[tilespmem:s3], [sflag:$0x4] =	stream.linear.gather [hbm4b:s24+s4], $0x80, $0x38;
	[tilespmem:$0x1CD80] =	vst v63  }
0x40: {  	s18 =	rddreg [dreg:$0x17]  }
0x41: {  	[tilespmem:s7], [sflag:$0x4] =	stream.linear.gather [hbm4b:s18+s4], $0x80, $0x38;
	[tilespmem:$0x1CD80] =	vst v63  }
0x42: {  	_ =	swait.ge [sflag:s8], $0x80  }
0x43: {  	[sflag:s8] =	ssyncset.done $0x0  }
0x44: {  	[sflag:s8] =	ssyncadd.s32 $0xFFFFFF80  }
0x45: {  	_ =	swait.ge [sflag:s8], $0x80  }
0x46: {  	[sflag:s8] =	ssyncset.done $0x0  }
0x47: {  	[sflag:s8] =	ssyncadd.s32 $0xFFFFFF80  }
0x48: {  	[tilespmem:s10], [sflag:$0x5] =	stream.indirect.gather [hbm4b:s1+s29], $0x80, s4, s29, $0xb8;
	[tilespmem:$0x1CD80] =	vst v63  }
0x49: {  	_ =	swait.ge [sflag:s11], $0x80  }
0x4a: {  	[sflag:s11] =	ssyncset.done $0x0  }
0x4b: {  	[sflag:s11] =	ssyncadd.s32 $0xFFFFFF80  }
0x4c: {  	_ =	swait.ge [sflag:s11], $0x80  }
0x4d: {  	[sflag:s11] =	ssyncset.done $0x0  }
0x4e: {  	[sflag:s11] =	ssyncadd.s32 $0xFFFFFF80  }
0x4f: {  	[tilespmem:s12], [sflag:$0x6] =	stream.indirect.gather [hbm4b:s1+s29], $0x80, s29, s29, $0xb8;
	[tilespmem:$0x1CD80] =	vst v63  }
0x50: {  	_ =	swait.ge [sflag:s13], $0x4000  }
0x51: {  	[sflag:s13] =	ssyncset.done $0x0  }
0x52: {  	[sflag:s13] =	ssyncadd.s32 $0xFFFFC000  }
0x53: {  	[spmem:s2] =	stream.indirect.scatter.add.f32 [tilespmem:s10], [sflag:$0x7], $0x80, s28, s29, $0xb8;
	[tilespmem:$0x1CD80] =	vst v63  }
0x54: {  	_ =	swait.ge [sflag:s26], $0x4000  }
0x55: {  	s19 =	sshrl.u32 s25, $0x3;
	[sflag:s26] =	ssyncset.done $0x0  }
0x56: {  	s18 =	sadd.s32 s5, s19;
	[sflag:s26] =	ssyncadd.s32 $0xFFFFC000  }
0x57: {  	[tilespmem:s4], [sflag:$0x1] =	stream.linear.gather [hbm4b:s18+s4], $0x80, $0x38;
	[tilespmem:$0x1CD80] =	vst v63  }
0x58: {  	s17 =	sadd.s32 s6, s19  }
0x59: {  	[tilespmem:s28], [sflag:$0x1] =	stream.linear.gather [hbm4b:s17+s4], $0x80, $0x38;
	[tilespmem:$0x1CD80] =	vst v63  }
0x5a: {  	_ =	swait.ge [sflag:s14], $0x80  }
0x5b: {  	[sflag:s14] =	ssyncset.done $0x0  }
0x5c: {  	[sflag:s14] =	ssyncadd.s32 $0xFFFFFF80  }
0x5d: {  	_ =	swait.ge [sflag:s14], $0x80  }
0x5e: {  	[sflag:s14] =	ssyncset.done $0x0  }
0x5f: {  	[sflag:s14] =	ssyncadd.s32 $0xFFFFFF80  }
0x60: {  	[tilespmem:s10], [sflag:$0x5] =	stream.indirect.gather [hbm4b:s1+s29], $0x80, s31, s29, $0xb8;
	[tilespmem:$0x1CD80] =	vst v63  }
0x61: {  	_ =	swait.ge [sflag:s15], $0x4000  }
0x62: {  	[sflag:s15] =	ssyncset.done $0x0  }
0x63: {  	[sflag:s15] =	ssyncadd.s32 $0xFFFFC000  }
0x64: {  	[spmem:s2] =	stream.indirect.scatter.add.f32 [tilespmem:s12], [sflag:$0x7], $0x80, s30, s29, $0xb8;
	[tilespmem:$0x1CD80] =	vst v63  }
0x65: {  	_ =	swait.ge [sflag:s26], $0x4000  }
0x66: {  	s20 =	rddreg [dreg:$0x9];
	[sflag:s26] =	ssyncset.done $0x0  }
0x67: {  	s24 =	rddreg [dreg:$0x8];
	[sflag:s26] =	ssyncadd.s32 $0xFFFFC000;
	s17 =	sadd.s32 $0x0, s20  }
0x68: {  	[tilespmem:s29], [sflag:$0x2] =	stream.linear.gather [hbm4b:s17+s4], $0x80, $0x38;
	[tilespmem:$0x1CD80] =	vst v63  }
0x69: {  	s19 =	sadd.s32 $0x0, s24  }
0x6a: {  	[tilespmem:s30], [sflag:$0x2] =	stream.linear.gather [hbm4b:s19+s4], $0x80, $0x38;
	[tilespmem:$0x1CD80] =	vst v63  }
0x6b: {  	_ =	swait.ge [sflag:s16], $0x80  }
0x6c: {  	[sflag:s16] =	ssyncset.done $0x0  }
0x6d: {  	[sflag:s16] =	ssyncadd.s32 $0xFFFFFF80  }
0x6e: {  	_ =	swait.ge [sflag:s16], $0x80  }
0x6f: {  	[sflag:s16] =	ssyncset.done $0x0  }
0x70: {  	[sflag:s16] =	ssyncadd.s32 $0xFFFFFF80  }
0x71: {  	[tilespmem:s12], [sflag:$0x6] =	stream.indirect.gather [hbm4b:s1+s29], $0x80, s3, s29, $0xb8;
	[tilespmem:$0x1CD80] =	vst v63  }
0x72: {  	_ =	swait.ge [sflag:s13], $0x4000  }
0x73: {  	[sflag:s13] =	ssyncset.done $0x0  }
0x74: {  	[sflag:s13] =	ssyncadd.s32 $0xFFFFC000  }
0x75: {  	[spmem:s2] =	stream.indirect.scatter.add.f32 [tilespmem:s10], [sflag:$0x7], $0x80, s0, s29, $0xb8;
	[tilespmem:$0x1CD80] =	vst v63  }
0x76: {  	_ =	swait.ge [sflag:s26], $0x4000  }
0x77: {  	s20 =	rddreg [dreg:$0x7];
	[sflag:s26] =	ssyncset.done $0x0  }
0x78: {  	s24 =	rddreg [dreg:$0x6];
	[sflag:s26] =	ssyncadd.s32 $0xFFFFC000;
	s17 =	sadd.s32 $0x0, s20  }
0x79: {  	[tilespmem:s31], [sflag:$0x3] =	stream.linear.gather [hbm4b:s17+s4], $0x80, $0x38;
	[tilespmem:$0x1CD80] =	vst v63  }
0x7a: {  	s18 =	sadd.s32 $0x0, s24  }
0x7b: {  	[tilespmem:s0], [sflag:$0x3] =	stream.linear.gather [hbm4b:s18+s4], $0x80, $0x38;
	[tilespmem:$0x1CD80] =	vst v63  }
0x7c: {  	_ =	swait.ge [sflag:s8], $0x80  }
0x7d: {  	[sflag:s8] =	ssyncset.done $0x0  }
0x7e: {  	[sflag:s8] =	ssyncadd.s32 $0xFFFFFF80  }
0x7f: {  	_ =	swait.ge [sflag:s8], $0x80  }
0x80: {  	[sflag:s8] =	ssyncset.done $0x0  }
0x81: {  	[sflag:s8] =	ssyncadd.s32 $0xFFFFFF80  }
0x82: {  	[tilespmem:s10], [sflag:$0x5] =	stream.indirect.gather [hbm4b:s1+s29], $0x80, s4, s29, $0xb8;
	[tilespmem:$0x1CD80] =	vst v63  }
0x83: {  	_ =	swait.ge [sflag:s15], $0x4000  }
0x84: {  	[sflag:s15] =	ssyncset.done $0x0  }
0x85: {  	[sflag:s15] =	ssyncadd.s32 $0xFFFFC000  }
0x86: {  	[spmem:s2] =	stream.indirect.scatter.add.f32 [tilespmem:s12], [sflag:$0x7], $0x80, s7, s29, $0xb8;
	[tilespmem:$0x1CD80] =	vst v63  }
0x87: {  	_ =	swait.ge [sflag:s26], $0x4000  }
0x88: {  	s19 =	rddreg [dreg:$0x5];
	[sflag:s26] =	ssyncset.done $0x0  }
0x89: {  	s20 =	rddreg [dreg:$0x4];
	[sflag:s26] =	ssyncadd.s32 $0xFFFFC000;
	s17 =	sadd.s32 $0x0, s19  }
0x8a: {  	[tilespmem:s3], [sflag:$0x4] =	stream.linear.gather [hbm4b:s17+s4], $0x80, $0x38;
	[tilespmem:$0x1CD80] =	vst v63  }
0x8b: {  	s24 =	simm.s32 $0x40;
	s18 =	sadd.s32 $0x0, s20;
	s17 =	sadd.s32 $0x200, s25  }
.LBB2_2:
0x8c: {  	[tilespmem:s7], [sflag:$0x4] =	stream.linear.gather [hbm4b:s18+s4], $0x80, $0x38;
	[tilespmem:$0x1CD80] =	vst v63  }
0x8d: {  	_ =	swait.ge [sflag:s11], $0x80  }
0x8e: {  	[sflag:s11] =	ssyncset.done $0x0  }
0x8f: {  	[sflag:s11] =	ssyncadd.s32 $0xFFFFFF80  }
0x90: {  	_ =	swait.ge [sflag:s11], $0x80  }
0x91: {  	[sflag:s11] =	ssyncset.done $0x0  }
0x92: {  	[sflag:s11] =	ssyncadd.s32 $0xFFFFFF80  }
0x93: {  	[tilespmem:s12], [sflag:$0x6] =	stream.indirect.gather [hbm4b:s1+s29], $0x80, s29, s29, $0xb8;
	[tilespmem:$0x1CD80] =	vst v63  }
0x94: {  	_ =	swait.ge [sflag:s13], $0x4000  }
0x95: {  	[sflag:s13] =	ssyncset.done $0x0  }
0x96: {  	[sflag:s13] =	ssyncadd.s32 $0xFFFFC000  }
0x97: {  	[spmem:s2] =	stream.indirect.scatter.add.f32 [tilespmem:s10], [sflag:$0x7], $0x80, s28, s29, $0xb8;
	[tilespmem:$0x1CD80] =	vst v63  }
0x98: {  	_ =	swait.ge [sflag:s26], $0x4000  }
0x99: {  	s19 =	sshrl.u32 s17, $0x3;
	[sflag:s26] =	ssyncset.done $0x0  }
0x9a: {  	s20 =	sadd.s32 s5, s19;
	[sflag:s26] =	ssyncadd.s32 $0xFFFFC000  }
0x9b: {  	[tilespmem:s4], [sflag:$0x1] =	stream.linear.gather [hbm4b:s20+s4], $0x80, $0x38;
	[tilespmem:$0x1CD80] =	vst v63  }
0x9c: {  	s19 =	sadd.s32 s6, s19  }
0x9d: {  	[tilespmem:s28], [sflag:$0x1] =	stream.linear.gather [hbm4b:s19+s4], $0x80, $0x38;
	[tilespmem:$0x1CD80] =	vst v63  }
0x9e: {  	_ =	swait.ge [sflag:s14], $0x80  }
0x9f: {  	[sflag:s14] =	ssyncset.done $0x0  }
0xa0: {  	[sflag:s14] =	ssyncadd.s32 $0xFFFFFF80  }
0xa1: {  	_ =	swait.ge [sflag:s14], $0x80  }
0xa2: {  	[sflag:s14] =	ssyncset.done $0x0  }
0xa3: {  	[sflag:s14] =	ssyncadd.s32 $0xFFFFFF80  }
0xa4: {  	[tilespmem:s10], [sflag:$0x5] =	stream.indirect.gather [hbm4b:s1+s29], $0x80, s31, s29, $0xb8;
	[tilespmem:$0x1CD80] =	vst v63  }
0xa5: {  	_ =	swait.ge [sflag:s15], $0x4000  }
0xa6: {  	[sflag:s15] =	ssyncset.done $0x0  }
0xa7: {  	[sflag:s15] =	ssyncadd.s32 $0xFFFFC000  }
0xa8: {  	[spmem:s2] =	stream.indirect.scatter.add.f32 [tilespmem:s12], [sflag:$0x7], $0x80, s30, s29, $0xb8;
	[tilespmem:$0x1CD80] =	vst v63  }
0xa9: {  	_ =	swait.ge [sflag:s26], $0x4000  }
0xaa: {  	s18 =	smov.u32 s24;
	s19 =	rddreg [dreg:$0x9];
	[sflag:s26] =	ssyncset.done $0x0  }
0xab: {  	s20 =	rddreg [dreg:$0x8];
	[sflag:s26] =	ssyncadd.s32 $0xFFFFC000;
	s19 =	sadd.s32 s18, s19  }
0xac: {  	[tilespmem:s29], [sflag:$0x2] =	stream.linear.gather [hbm4b:s19+s4], $0x80, $0x38;
	[tilespmem:$0x1CD80] =	vst v63  }
0xad: {  	s20 =	sadd.s32 s18, s20  }
0xae: {  	[tilespmem:s30], [sflag:$0x2] =	stream.linear.gather [hbm4b:s20+s4], $0x80, $0x38;
	[tilespmem:$0x1CD80] =	vst v63  }
0xaf: {  	_ =	swait.ge [sflag:s16], $0x80  }
0xb0: {  	[sflag:s16] =	ssyncset.done $0x0  }
0xb1: {  	[sflag:s16] =	ssyncadd.s32 $0xFFFFFF80  }
0xb2: {  	_ =	swait.ge [sflag:s16], $0x80  }
0xb3: {  	[sflag:s16] =	ssyncset.done $0x0  }
0xb4: {  	[sflag:s16] =	ssyncadd.s32 $0xFFFFFF80  }
0xb5: {  	[tilespmem:s12], [sflag:$0x6] =	stream.indirect.gather [hbm4b:s1+s29], $0x80, s3, s29, $0xb8;
	[tilespmem:$0x1CD80] =	vst v63  }
0xb6: {  	_ =	swait.ge [sflag:s13], $0x4000  }
0xb7: {  	[sflag:s13] =	ssyncset.done $0x0  }
0xb8: {  	[sflag:s13] =	ssyncadd.s32 $0xFFFFC000  }
0xb9: {  	[spmem:s2] =	stream.indirect.scatter.add.f32 [tilespmem:s10], [sflag:$0x7], $0x80, s0, s29, $0xb8;
	[tilespmem:$0x1CD80] =	vst v63  }
0xba: {  	_ =	swait.ge [sflag:s26], $0x4000  }
0xbb: {  	s19 =	rddreg [dreg:$0x7];
	[sflag:s26] =	ssyncset.done $0x0  }
0xbc: {  	s20 =	rddreg [dreg:$0x6];
	[sflag:s26] =	ssyncadd.s32 $0xFFFFC000;
	s19 =	sadd.s32 s18, s19  }
0xbd: {  	[tilespmem:s31], [sflag:$0x3] =	stream.linear.gather [hbm4b:s19+s4], $0x80, $0x38;
	[tilespmem:$0x1CD80] =	vst v63  }
0xbe: {  	s20 =	sadd.s32 s18, s20  }
0xbf: {  	[tilespmem:s0], [sflag:$0x3] =	stream.linear.gather [hbm4b:s20+s4], $0x80, $0x38;
	[tilespmem:$0x1CD80] =	vst v63  }
0xc0: {  	_ =	swait.ge [sflag:s8], $0x80  }
0xc1: {  	[sflag:s8] =	ssyncset.done $0x0  }
0xc2: {  	[sflag:s8] =	ssyncadd.s32 $0xFFFFFF80  }
0xc3: {  	_ =	swait.ge [sflag:s8], $0x80  }
0xc4: {  	[sflag:s8] =	ssyncset.done $0x0  }
0xc5: {  	[sflag:s8] =	ssyncadd.s32 $0xFFFFFF80  }
0xc6: {  	[tilespmem:s10], [sflag:$0x5] =	stream.indirect.gather [hbm4b:s1+s29], $0x80, s4, s29, $0xb8;
	[tilespmem:$0x1CD80] =	vst v63  }
0xc7: {  	_ =	swait.ge [sflag:s15], $0x4000  }
0xc8: {  	[sflag:s15] =	ssyncset.done $0x0  }
0xc9: {  	p1 =	sne.s32 s24, $0x940;
	[sflag:s15] =	ssyncadd.s32 $0xFFFFC000  }
0xca: {  	[spmem:s2] =	stream.indirect.scatter.add.f32 [tilespmem:s12], [sflag:$0x7], $0x80, s7, s29, $0xb8;
	[tilespmem:$0x1CD80] =	vst v63  }
.Ltmp0:
0xcb: {  	_ =	swait.ge [sflag:s26], $0x4000;
	(pc) =	sbr.rel @p1 .LBB2_2-.Ltmp0, $4  }
0xcc: {  	s24 =	sadd.s32 $0x40, s24;
	s19 =	rddreg [dreg:$0x5]  }
0xcd: {  	s17 =	sadd.s32 $0x200, s17;
	s20 =	rddreg [dreg:$0x4];
	[sflag:s26] =	ssyncset.done $0x0  }
0xce: {  	[sflag:s26] =	ssyncadd.s32 $0xFFFFC000;
	s19 =	sadd.s32 s18, s19;
	s18 =	sadd.s32 s18, s20  }
0xcf: {  	[tilespmem:s3], [sflag:$0x4] =	stream.linear.gather [hbm4b:s19+s4], $0x80, $0x38;
	[tilespmem:$0x1CD80] =	vst v63  }
0xd0: {  	[tilespmem:s7], [sflag:$0x4] =	stream.linear.gather [hbm4b:s18+s4], $0x80, $0x38;
	[tilespmem:$0x1CD80] =	vst v63  }
0xd1: {  	_ =	swait.ge [sflag:s11], $0x80  }
0xd2: {  	[sflag:s11] =	ssyncset.done $0x0  }
0xd3: {  	[sflag:s11] =	ssyncadd.s32 $0xFFFFFF80  }
0xd4: {  	_ =	swait.ge [sflag:s11], $0x80  }
0xd5: {  	[sflag:s11] =	ssyncset.done $0x0  }
0xd6: {  	[sflag:s11] =	ssyncadd.s32 $0xFFFFFF80  }
0xd7: {  	[tilespmem:s12], [sflag:$0x6] =	stream.indirect.gather [hbm4b:s1+s29], $0x80, s29, s29, $0xb8;
	[tilespmem:$0x1CD80] =	vst v63  }
0xd8: {  	_ =	swait.ge [sflag:s13], $0x4000  }
0xd9: {  	[sflag:s13] =	ssyncset.done $0x0  }
0xda: {  	[sflag:s13] =	ssyncadd.s32 $0xFFFFC000  }
0xdb: {  	[spmem:s2] =	stream.indirect.scatter.add.f32 [tilespmem:s10], [sflag:$0x7], $0x80, s28, s29, $0xb8;
	[tilespmem:$0x1CD80] =	vst v63  }
0xdc: {  	_ =	swait.ge [sflag:s26], $0x4000  }
0xdd: {  	[sflag:s26] =	ssyncset.done $0x0  }
0xde: {  	[sflag:s26] =	ssyncadd.s32 $0xFFFFC000  }
0xdf: {  	_ =	swait.ge [sflag:s14], $0x80  }
0xe0: {  	[sflag:s14] =	ssyncset.done $0x0  }
0xe1: {  	[sflag:s14] =	ssyncadd.s32 $0xFFFFFF80  }
0xe2: {  	_ =	swait.ge [sflag:s14], $0x80  }
0xe3: {  	[sflag:s14] =	ssyncset.done $0x0  }
0xe4: {  	[sflag:s14] =	ssyncadd.s32 $0xFFFFFF80  }
0xe5: {  	[tilespmem:s10], [sflag:$0x5] =	stream.indirect.gather [hbm4b:s1+s29], $0x80, s31, s29, $0xb8;
	[tilespmem:$0x1CD80] =	vst v63  }
0xe6: {  	_ =	swait.ge [sflag:s15], $0x4000  }
0xe7: {  	[sflag:s15] =	ssyncset.done $0x0  }
0xe8: {  	[sflag:s15] =	ssyncadd.s32 $0xFFFFC000  }
0xe9: {  	[spmem:s2] =	stream.indirect.scatter.add.f32 [tilespmem:s12], [sflag:$0x7], $0x80, s30, s29, $0xb8;
	[tilespmem:$0x1CD80] =	vst v63  }
0xea: {  	_ =	swait.ge [sflag:s26], $0x4000  }
0xeb: {  	[sflag:s26] =	ssyncset.done $0x0  }
0xec: {  	[sflag:s26] =	ssyncadd.s32 $0xFFFFC000  }
0xed: {  	_ =	swait.ge [sflag:s16], $0x80  }
0xee: {  	[sflag:s16] =	ssyncset.done $0x0  }
0xef: {  	[sflag:s16] =	ssyncadd.s32 $0xFFFFFF80  }
0xf0: {  	_ =	swait.ge [sflag:s16], $0x80  }
0xf1: {  	[sflag:s16] =	ssyncset.done $0x0  }
0xf2: {  	[sflag:s16] =	ssyncadd.s32 $0xFFFFFF80  }
0xf3: {  	[tilespmem:s12], [sflag:$0x6] =	stream.indirect.gather [hbm4b:s1+s29], $0x80, s3, s29, $0xb8;
	[tilespmem:$0x1CD80] =	vst v63  }
0xf4: {  	_ =	swait.ge [sflag:s13], $0x4000  }
0xf5: {  	[sflag:s13] =	ssyncset.done $0x0  }
0xf6: {  	[sflag:s13] =	ssyncadd.s32 $0xFFFFC000  }
0xf7: {  	[spmem:s2] =	stream.indirect.scatter.add.f32 [tilespmem:s10], [sflag:$0x7], $0x80, s0, s29, $0xb8;
	[tilespmem:$0x1CD80] =	vst v63  }
0xf8: {  	_ =	swait.ge [sflag:s26], $0x4000  }
0xf9: {  	[sflag:s26] =	ssyncset.done $0x0  }
0xfa: {  	[sflag:s26] =	ssyncadd.s32 $0xFFFFC000  }
0xfb: {  	_ =	swait.ge [sflag:s15], $0x4000  }
0xfc: {  	[sflag:s15] =	ssyncset.done $0x0  }
0xfd: {  	[sflag:s15] =	ssyncadd.s32 $0xFFFFC000  }
0xfe: {  	[spmem:s2] =	stream.indirect.scatter.add.f32 [tilespmem:s12], [sflag:$0x7], $0x80, s7, s29, $0xb8;
	[tilespmem:$0x1CD80] =	vst v63  }
0xff: {  	_ =	swait.ge [sflag:s26], $0x4000  }
0x100: {  	[sflag:s26] =	ssyncset.done $0x0  }
0x101: {  	s18 =	simm.s32 $0x8400;
	s17 =	rddreg [dreg:$0x18];
	[sflag:s26] =	ssyncadd.s32 $0xFFFFC000  }
0x102: {  	[tilespmem:s18], [sflag:$0x7] =	stream.linear.gather [hbm4b:s17+s4], $0x20, $0x38;
	[tilespmem:$0x1CD80] =	vst v63  }
0x103: {  	_ =	swait.ge [sflag:s26], $0x20  }
0x104: {  	[sflag:s26] =	ssyncset.done $0x0  }
0x105: {  	s19 =	simm.s32 $0x8480;
	s20 =	rddreg [dreg:$0x19];
	[sflag:s26] =	ssyncadd.s32 $0xFFFFFFE0  }
0x106: {  	[tilespmem:s19], [sflag:$0x7] =	stream.linear.gather [hbm4b:s20+s4], $0x20, $0x38;
	[tilespmem:$0x1CD80] =	vst v63  }
0x107: {  	_ =	swait.ge [sflag:s26], $0x20  }
0x108: {  	[sflag:s26] =	ssyncset.done $0x0  }
0x109: {  	s24 =	simm.s32 $0x20;
	s20 =	simm.s32 $0x8500;
	[sflag:s26] =	ssyncadd.s32 $0xFFFFFFE0  }
0x10a: {  	[tilespmem:s20], [sflag:$0x5] =	stream.indirect.gather [hbm4b:s1+s24], $0x80, s18, s24, $0xb8;
	[tilespmem:$0x1CD80] =	vst v63  }
0x10b: {  	_ =	swait.ge [sflag:s13], $0x1000  }
0x10c: {  	[sflag:s13] =	ssyncset.done $0x0  }
0x10d: {  	[sflag:s13] =	ssyncadd.s32 $0xFFFFF000  }
0x10e: {  	[spmem:s2] =	stream.indirect.scatter.add.f32 [tilespmem:s20], [sflag:$0x7], $0x80, s19, s24, $0xb8;
	[tilespmem:$0x1CD80] =	vst v63  }
0x10f: {  	_ =	swait.ge [sflag:s26], $0x1000  }
0x110: {  	[sflag:s26] =	ssyncset.done $0x0  }
0x111: {  	[sflag:s26] =	ssyncadd.s32 $0xFFFFF000  }
0x112: {  	[bflag:$0x0] =	sbarrier.arrive $0xFFFF  }
0x113: {  	s20 =	rddreg [dreg:$0x13]  }
0x114: {  	[hbm:s20], [sflag:s9] =	dma.local [spmem:s22], $0x2700  }
0x115: {  	_ =	swait.ge [sflag:s26], $0x2700  }
0x116: {  	[sflag:s26] =	ssyncset.done $0x0  }
0x117: {  	s17 =	rddreg [dreg:$0x14];
	[sflag:s26] =	ssyncadd.s32 $0xFFFFD900  }
0x118: {  	[hbm:s17], [sflag:s9] =	dma.local @!p0 [spmem:s23], $0x100  }
0x119: {  	s17 =	simm.s32 @!p0 $0x7  }
0x11a: {  	_ =	swait.ge @!p0 [sflag:s17], $0x100  }
0x11b: {  	s21 =	sadd.s32 $0x1, s21;
	s24 =	rddreg [dreg:$0x1a]  }
0x11c: {  	p1 =	sne.s32 s21, s24  }
.Ltmp1:
0x11d: {  	_ = 	snop;
	(pc) =	sbr.rel @p1 .LBB2_1-.Ltmp1, $3  }
0x11e: {  	_ =	sdelay $0x1  }
0x11f: {  	[sflag:s17] =	ssyncset.done @!p0 $0x0  }
0x120: {  	[sflag:s17] =	ssyncadd.s32 @!p0 $0xFFFFFF00  }
0x121: {  	_ =	sfence.sel $0x180000  }
0x122: {  	[bflag:$0x0] =	sbarrier.arrive $0xFFFF  }
0x123: {  	_ =	strace $0x9000004A  }
0x124: {  	s0 =	stileid.u32;
	[bflag:$0x2] =	sbarrier.arrive $0xFFFF  }
0x125: {  	p0 =	sne.s32 s0, $0x0;
	s0 =	rddreg [dreg:$0x3]  }
0x126: {  	s0 =	sadd.s32 @!p0 $0x100000, s0  }
0x127: {  	[sflag:s0] =	ssyncadd.tile.s32 @!p0 $0x1;
	_ =	shalt  }
.Lfunc_end2:
_tile_overlayer_lowered:
.L_overlay_start_2:
0x128: {  	(tag) =	ssettag $0x2  }
0x129: {  	s0 =	rddreg [dreg:$0x0];
	s2 =	stileid.u32  }
0x12a: {  	s1 =	rddreg [dreg:$0x1];
	p0 =	sne.s32 s2, $0x0  }
0x12b: {  	s3 =	rddreg [dreg:$0x2];
	[bflag:$0x3] =	sbarrier.arrive $0xFFFF;
	s2 =	simm.s32 @!p0 $0x1C07  }
0x12c: {  	[timem:s3], [sflag:s2] =	dma.local @!p0 [hbm:s0], s1  }
0x12d: {  	s0 =	simm.s32 @!p0 $0x7  }
0x12e: {  	_ =	swait.ge @!p0 [sflag:s0], s1  }
0x12f: {  	s1 =	ssub.s32 @!p0 $0x0, s1;
	[sflag:s0] =	ssyncset.done @!p0 $0x0  }
0x130: {  	[sflag:s0] =	ssyncadd.s32 @!p0 s1  }
0x131: {  	[bflag:$0x3] =	sbarrier.arrive $0xFFFF  }
0x132: {  	_ =	shalt  }

</sc_bundles>
